<compile_context>
chip_gen: v7x
topology: tpu7x:2x2x1
jax: 0.10.2.dev20260603
libtpu: 0.0.44.dev20260713+nightly
codegen_flags: <defaults>
</compile_context>

<pallas_src>
import functools

import jax
import jax.numpy as jnp
from jax import lax
from jax.experimental import pallas as pl
from jax.experimental.pallas import tpu as pltpu
from jax.experimental.pallas import tpu_sc as plsc

N = 10000
E = 320000
D = 128
DH = D // 2

NC = 2
NS = 16
K = 128
PER_TILE = -(-E // (NS * K)) * K
EP = PER_TILE * NS
CHUNKS = PER_TILE // K
HC = CHUNKS // 2
CW = 16

ACC = 10240
RPT = ACC // NS
ZSPANS = ((0, 128), (128, 128), (256, 128), (384, 128), (512, 128))


def _sc_agg_body(src4_hbm, dst3_hbm, xcat_hbm, z2_hbm, z1_hbm, ones_hbm,
                 sums_out, cnt_out,
                 src_all, dst_all, rowsg, ones_v, cbuf_v, acc_sh, cnt_sh,
                 sem0):
    cid = lax.axis_index("c")
    sid = lax.axis_index("s")
    row0 = sid * RPT

    pltpu.sync_copy(src4_hbm.at[cid, sid], src_all)
    pltpu.sync_copy(dst3_hbm.at[sid], dst_all)
    pltpu.sync_copy(z2_hbm, rowsg.at[0])
    for off, sz in ZSPANS:
        pltpu.sync_copy(rowsg.at[0, pl.ds(0, sz)],
                        acc_sh.at[pl.ds(row0 + off, sz)])
    pltpu.sync_copy(z1_hbm, cbuf_v)
    pltpu.sync_copy(cbuf_v, cnt_sh.at[pl.ds(row0, RPT)])
    pltpu.sync_copy(ones_hbm, ones_v)
    plsc.subcore_barrier()

    def count_mine(j):
        return lax.select(cid == 0, j < HC, j >= HC)

    def body(j, carry):
        pltpu.async_copy(xcat_hbm.at[src_all.at[j]], rowsg.at[0], sem0).wait()
        pltpu.sync_copy(rowsg.at[0], acc_sh.at[dst_all.at[j]], add=True)

        @pl.when(count_mine(j))
        def _():
            pltpu.sync_copy(ones_v, cnt_sh.at[dst_all.at[j]], add=True)

        return carry

    lax.fori_loop(0, CHUNKS, body, 0)
    plsc.subcore_barrier()

    for off, sz in ZSPANS:
        pltpu.sync_copy(acc_sh.at[pl.ds(row0 + off, sz)],
                        rowsg.at[0, pl.ds(0, sz)])
        pltpu.sync_copy(rowsg.at[0, pl.ds(0, sz)],
                        sums_out.at[cid, pl.ds(row0 + off, sz)])

    pltpu.sync_copy(cnt_sh.at[pl.ds(row0, RPT)], cbuf_v)
    pltpu.sync_copy(cbuf_v, cnt_out.at[cid, pl.ds(row0, RPT)])


_sc_agg = functools.partial(
    pl.kernel,
    out_type=(
        jax.ShapeDtypeStruct((NC, ACC, DH), jnp.float32),
        jax.ShapeDtypeStruct((NC, ACC, CW), jnp.float32),
    ),
    mesh=plsc.VectorSubcoreMesh(core_axis_name="c", subcore_axis_name="s"),
    compiler_params=pltpu.CompilerParams(use_tc_tiling_on_sc=False),
    scratch_types=(
        pltpu.VMEM((CHUNKS, K), jnp.int32),
        pltpu.VMEM((CHUNKS, K), jnp.int32),
        pltpu.VMEM((1, K, DH), jnp.float32),
        pltpu.VMEM((K, CW), jnp.float32),
        pltpu.VMEM((RPT, CW), jnp.float32),
        pltpu.VMEM_SHARED((ACC, DH), jnp.float32),
        pltpu.VMEM_SHARED((ACC, CW), jnp.float32),
        pltpu.SemaphoreType.DMA,
    ),
)(_sc_agg_body)


BR = 1024


def _tc_dense_body(x_ref, s_ref, c_ref, wl_ref, wr_ref, w1_ref, bl_ref,
                   b1_ref, o_ref):
    c = c_ref[0, :, 0:1] + c_ref[1, :, 0:1]
    inv = 1.0 / jnp.maximum(c, 1.0)
    m0 = s_ref[0] * inv
    m1 = s_ref[1] * inv
    h = jnp.dot(m0, wl_ref[0:DH, :], preferred_element_type=jnp.float32)
    h += jnp.dot(m1, wl_ref[DH:D, :], preferred_element_type=jnp.float32)
    h += jnp.dot(x_ref[...], wr_ref[...], preferred_element_type=jnp.float32)
    h = jnp.maximum(h + bl_ref[...], 0.0)
    o_ref[...] = (jnp.dot(h, w1_ref[...], preferred_element_type=jnp.float32)
                  + b1_ref[...])


def kernel(x, edge_index, Wl, bl, Wr, W1, b1):
    src = edge_index[0]
    dst = edge_index[1]
    pad = EP - E
    src_p = jnp.concatenate([src, jnp.zeros((pad,), jnp.int32)])
    dst_p = jnp.concatenate([dst, jnp.full((pad,), N, jnp.int32)])
    xr = jnp.concatenate([x[:, :DH], x[:, DH:]], axis=0)
    src4 = jnp.stack([src_p, src_p + N]).reshape(NC, NS, CHUNKS, K)
    dst3 = dst_p.reshape(NS, CHUNKS, K)
    z2 = jnp.zeros((K, DH), jnp.float32)
    z1 = jnp.zeros((RPT, CW), jnp.float32)
    ones = jnp.ones((K, CW), jnp.float32)

    sums, cnts = _sc_agg(src4, dst3, xr, z2, z1, ones)

    grid = ACC // BR
    out = pl.pallas_call(
        _tc_dense_body,
        grid=(grid,),
        in_specs=[
            pl.BlockSpec((BR, D), lambda i: (i, 0)),
            pl.BlockSpec((NC, BR, DH), lambda i: (0, i, 0)),
            pl.BlockSpec((NC, BR, CW), lambda i: (0, i, 0)),
            pl.BlockSpec((D, D), lambda i: (0, 0)),
            pl.BlockSpec((D, D), lambda i: (0, 0)),
            pl.BlockSpec((D, D), lambda i: (0, 0)),
            pl.BlockSpec((1, D), lambda i: (0, 0)),
            pl.BlockSpec((1, D), lambda i: (0, 0)),
        ],
        out_specs=pl.BlockSpec((BR, D), lambda i: (i, 0)),
        out_shape=jax.ShapeDtypeStruct((N, D), jnp.float32),
    )(x, sums, cnts, Wl.T, Wr.T, W1.T, bl[None, :], b1[None, :])
    return out

# --- scband reference (transcript-rebuilt; emitter-appended) ---
"""Pipeline reference for scband-my-graph-decoder-10514079941372 (READ-ONLY COPY).

The authoritative reference and input builder live on the scoring server;
editing this copy changes nothing except your own understanding.
"""

import jax, jax.numpy as jnp
import numpy as np

N = 10000
E = 320000
D = 128
H = 128
O = 128

def setup_inputs(seed: int = 0) -> dict:
    key = jax.random.key(seed)
    ks = jax.random.split(key, 8)
    x = jax.random.normal(ks[0], (N, D), dtype=jnp.float32)
    edge_index = jax.random.randint(ks[1], (2, E), 0, N, dtype=jnp.int32)
    # SAGEConv params (PyG semantics): lin_l applied to aggregated neighbors (has bias),
    # lin_r applied to root/self features (no bias).
    Wl = jax.random.normal(ks[2], (H, D), dtype=jnp.float32) * (1.0 / np.sqrt(D))
    bl = jax.random.normal(ks[3], (H,), dtype=jnp.float32) * 0.01
    Wr = jax.random.normal(ks[4], (H, D), dtype=jnp.float32) * (1.0 / np.sqrt(D))
    # Final Linear
    W1 = jax.random.normal(ks[5], (O, H), dtype=jnp.float32) * (1.0 / np.sqrt(H))
    b1 = jax.random.normal(ks[6], (O,), dtype=jnp.float32) * 0.01
    return {"x": x, "edge_index": edge_index, "Wl": Wl, "bl": bl, "Wr": Wr, "W1": W1, "b1": b1}

def reference(x, edge_index, Wl, bl, Wr, W1, b1):
    src = edge_index[0]
    dst = edge_index[1]
    # SAGEConv mean aggregation: gather source node features, scatter-mean into dst
    msgs = jnp.take(x, src, axis=0)
    sums = jax.ops.segment_sum(msgs, dst, num_segments=N)
    cnt = jax.ops.segment_sum(jnp.ones((E, 1), dtype=x.dtype), dst, num_segments=N)
    mean = sums / jnp.clip(cnt, 1.0, None)
    h = mean @ Wl.T + bl + x @ Wr.T
    h = jax.nn.relu(h)
    out = h @ W1.T + b1
    return out

if __name__ == "__main__":
    import jax
    _d = setup_inputs()
    print(jax.jit(kernel)(*tuple(_d.values())))

</pallas_src>

<mosaic_0001>
#map = affine_map<(d0, d1) -> (0, 0, 0, 0)>
#map1 = affine_map<(d0, d1) -> (0, 0, 0)>
#map2 = affine_map<(d0, d1) -> (0, 0)>
module attributes {stable_mosaic.version = 14 : i64} {
  func.func @_sc_agg_body(%arg0: i32, %arg1: i32, %arg2: memref<2x16x157x128xi32, #tpu.memory_space<hbm>>, %arg3: memref<16x157x128xi32, #tpu.memory_space<hbm>>, %arg4: memref<20000x64xf32, #tpu.memory_space<hbm>>, %arg5: memref<128x64xf32, #tpu.memory_space<hbm>>, %arg6: memref<640x16xf32, #tpu.memory_space<hbm>>, %arg7: memref<128x16xf32, #tpu.memory_space<hbm>>, %arg8: memref<2x10240x64xf32, #tpu.memory_space<hbm>>, %arg9: memref<2x10240x16xf32, #tpu.memory_space<hbm>>, %arg10: memref<157x128xi32, #tpu.memory_space<vmem>>, %arg11: memref<157x128xi32, #tpu.memory_space<vmem>>, %arg12: memref<1x128x64xf32, #tpu.memory_space<vmem>>, %arg13: memref<128x16xf32, #tpu.memory_space<vmem>>, %arg14: memref<640x16xf32, #tpu.memory_space<vmem>>, %arg15: memref<10240x64xf32, #tpu.memory_space<vmem_shared>>, %arg16: memref<10240x16xf32, #tpu.memory_space<vmem_shared>>, %arg17: memref<!tpu.dma_semaphore, #tpu.memory_space<semaphore_mem>>) attributes {dimension_semantics = [#tpu.dimension_semantics<core_parallel>, #tpu.dimension_semantics<subcore_parallel>], iteration_bounds = array<i64: 2, 16>, scalar_prefetch = 0 : i64, scratch_operands = 8 : i64, tpu.core_type = #tpu.core_type<sc_vector_subcore>, window_params = [{transform_indices = #map}, {transform_indices = #map1}, {transform_indices = #map2}, {transform_indices = #map2}, {transform_indices = #map2}, {transform_indices = #map2}, {transform_indices = #map1}, {transform_indices = #map1}]} {
    %mul3A = arith.constant 640 : i32
    %mul3A_0 = arith.muli %arg1, %mul3A : i32
    "tpu.region"() ({
      %run_scoped3A_51 = tpu.sem_alloc : memref<!tpu.dma_semaphore, #tpu.memory_space<semaphore_mem>>
      %dma_start3A = arith.constant 0 : i32
      %dma_start3A_52 = arith.constant 0 : i32
      %dma_start3A_53 = tpu.memref_slice %arg2[%arg0, %arg1, %dma_start3A, %dma_start3A_52] : memref<2x16x157x128xi32, #tpu.memory_space<hbm>> -> memref<1x1x157x128xi32, #tpu.memory_space<hbm>>
      %dma_start3A_54 = tpu.memref_squeeze %dma_start3A_53 : memref<1x1x157x128xi32, #tpu.memory_space<hbm>> -> memref<157x128xi32, #tpu.memory_space<hbm>>
      %dma_start3A_55 = arith.constant 0 : i32
      %dma_start3A_56 = arith.constant 0 : i32
      %dma_start3A_57 = tpu.memref_slice %arg2[%arg0, %arg1, %dma_start3A_55, %dma_start3A_56] : memref<2x16x157x128xi32, #tpu.memory_space<hbm>> -> memref<1x1x157x128xi32, #tpu.memory_space<hbm>>
      %dma_start3A_58 = tpu.memref_squeeze %dma_start3A_57 : memref<1x1x157x128xi32, #tpu.memory_space<hbm>> -> memref<157x128xi32, #tpu.memory_space<hbm>>
      tpu.enqueue_dma source(%dma_start3A_58 : memref<157x128xi32, #tpu.memory_space<hbm>>) target(%arg10 : memref<157x128xi32, #tpu.memory_space<vmem>>) target_semaphore(%run_scoped3A_51 : memref<!tpu.dma_semaphore, #tpu.memory_space<semaphore_mem>>)
      %dma_wait3A = arith.constant 0 : i32
      %dma_wait3A_59 = arith.constant 0 : i32
      %dma_wait3A_60 = tpu.memref_slice %arg2[%arg0, %arg1, %dma_wait3A, %dma_wait3A_59] : memref<2x16x157x128xi32, #tpu.memory_space<hbm>> -> memref<1x1x157x128xi32, #tpu.memory_space<hbm>>
      %dma_wait3A_61 = tpu.memref_squeeze %dma_wait3A_60 : memref<1x1x157x128xi32, #tpu.memory_space<hbm>> -> memref<157x128xi32, #tpu.memory_space<hbm>>
      %dma_wait3A_62 = arith.constant 0 : i32
      %dma_wait3A_63 = arith.constant 0 : i32
      %dma_wait3A_64 = tpu.memref_slice %arg2[%arg0, %arg1, %dma_wait3A_62, %dma_wait3A_63] : memref<2x16x157x128xi32, #tpu.memory_space<hbm>> -> memref<1x1x157x128xi32, #tpu.memory_space<hbm>>
      %dma_wait3A_65 = tpu.memref_squeeze %dma_wait3A_64 : memref<1x1x157x128xi32, #tpu.memory_space<hbm>> -> memref<157x128xi32, #tpu.memory_space<hbm>>
      tpu.wait_dma2 semaphore(%run_scoped3A_51 : memref<!tpu.dma_semaphore, #tpu.memory_space<semaphore_mem>>) src(%dma_wait3A_65 : memref<157x128xi32, #tpu.memory_space<hbm>>) dst(%arg10 : memref<157x128xi32, #tpu.memory_space<vmem>>)
      tpu.yield
    }) : () -> ()
    "tpu.region"() ({
      %run_scoped3A_51 = tpu.sem_alloc : memref<!tpu.dma_semaphore, #tpu.memory_space<semaphore_mem>>
      %dma_start3A = arith.constant 0 : i32
      %dma_start3A_52 = arith.constant 0 : i32
      %dma_start3A_53 = tpu.memref_slice %arg3[%arg1, %dma_start3A, %dma_start3A_52] : memref<16x157x128xi32, #tpu.memory_space<hbm>> -> memref<1x157x128xi32, #tpu.memory_space<hbm>>
      %dma_start3A_54 = tpu.memref_squeeze %dma_start3A_53 : memref<1x157x128xi32, #tpu.memory_space<hbm>> -> memref<157x128xi32, #tpu.memory_space<hbm>>
      %dma_start3A_55 = arith.constant 0 : i32
      %dma_start3A_56 = arith.constant 0 : i32
      %dma_start3A_57 = tpu.memref_slice %arg3[%arg1, %dma_start3A_55, %dma_start3A_56] : memref<16x157x128xi32, #tpu.memory_space<hbm>> -> memref<1x157x128xi32, #tpu.memory_space<hbm>>
      %dma_start3A_58 = tpu.memref_squeeze %dma_start3A_57 : memref<1x157x128xi32, #tpu.memory_space<hbm>> -> memref<157x128xi32, #tpu.memory_space<hbm>>
      tpu.enqueue_dma source(%dma_start3A_58 : memref<157x128xi32, #tpu.memory_space<hbm>>) target(%arg11 : memref<157x128xi32, #tpu.memory_space<vmem>>) target_semaphore(%run_scoped3A_51 : memref<!tpu.dma_semaphore, #tpu.memory_space<semaphore_mem>>)
      %dma_wait3A = arith.constant 0 : i32
      %dma_wait3A_59 = arith.constant 0 : i32
      %dma_wait3A_60 = tpu.memref_slice %arg3[%arg1, %dma_wait3A, %dma_wait3A_59] : memref<16x157x128xi32, #tpu.memory_space<hbm>> -> memref<1x157x128xi32, #tpu.memory_space<hbm>>
      %dma_wait3A_61 = tpu.memref_squeeze %dma_wait3A_60 : memref<1x157x128xi32, #tpu.memory_space<hbm>> -> memref<157x128xi32, #tpu.memory_space<hbm>>
      %dma_wait3A_62 = arith.constant 0 : i32
      %dma_wait3A_63 = arith.constant 0 : i32
      %dma_wait3A_64 = tpu.memref_slice %arg3[%arg1, %dma_wait3A_62, %dma_wait3A_63] : memref<16x157x128xi32, #tpu.memory_space<hbm>> -> memref<1x157x128xi32, #tpu.memory_space<hbm>>
      %dma_wait3A_65 = tpu.memref_squeeze %dma_wait3A_64 : memref<1x157x128xi32, #tpu.memory_space<hbm>> -> memref<157x128xi32, #tpu.memory_space<hbm>>
      tpu.wait_dma2 semaphore(%run_scoped3A_51 : memref<!tpu.dma_semaphore, #tpu.memory_space<semaphore_mem>>) src(%dma_wait3A_65 : memref<157x128xi32, #tpu.memory_space<hbm>>) dst(%arg11 : memref<157x128xi32, #tpu.memory_space<vmem>>)
      tpu.yield
    }) : () -> ()
    %run_scoped3A = arith.constant 0 : i32
    "tpu.region"() ({
      %run_scoped3A_51 = tpu.sem_alloc : memref<!tpu.dma_semaphore, #tpu.memory_space<semaphore_mem>>
      %dma_start3A = arith.constant 0 : i32
      %dma_start3A_52 = arith.constant 0 : i32
      %dma_start3A_53 = tpu.memref_slice %arg12[%run_scoped3A, %dma_start3A, %dma_start3A_52] : memref<1x128x64xf32, #tpu.memory_space<vmem>> -> memref<1x128x64xf32, #tpu.memory_space<vmem>>
      %dma_start3A_54 = tpu.memref_squeeze %dma_start3A_53 : memref<1x128x64xf32, #tpu.memory_space<vmem>> -> memref<128x64xf32, #tpu.memory_space<vmem>>
      %dma_start3A_55 = arith.constant 0 : i32
      %dma_start3A_56 = arith.constant 0 : i32
      %dma_start3A_57 = tpu.memref_slice %arg12[%run_scoped3A, %dma_start3A_55, %dma_start3A_56] : memref<1x128x64xf32, #tpu.memory_space<vmem>> -> memref<1x128x64xf32, #tpu.memory_space<vmem>>
      %dma_start3A_58 = tpu.memref_squeeze %dma_start3A_57 : memref<1x128x64xf32, #tpu.memory_space<vmem>> -> memref<128x64xf32, #tpu.memory_space<vmem>>
      tpu.enqueue_dma source(%arg5 : memref<128x64xf32, #tpu.memory_space<hbm>>) target(%dma_start3A_58 : memref<128x64xf32, #tpu.memory_space<vmem>>) target_semaphore(%run_scoped3A_51 : memref<!tpu.dma_semaphore, #tpu.memory_space<semaphore_mem>>)
      %dma_wait3A = arith.constant 0 : i32
      %dma_wait3A_59 = arith.constant 0 : i32
      %dma_wait3A_60 = tpu.memref_slice %arg12[%run_scoped3A, %dma_wait3A, %dma_wait3A_59] : memref<1x128x64xf32, #tpu.memory_space<vmem>> -> memref<1x128x64xf32, #tpu.memory_space<vmem>>
      %dma_wait3A_61 = tpu.memref_squeeze %dma_wait3A_60 : memref<1x128x64xf32, #tpu.memory_space<vmem>> -> memref<128x64xf32, #tpu.memory_space<vmem>>
      %dma_wait3A_62 = arith.constant 0 : i32
      %dma_wait3A_63 = arith.constant 0 : i32
      %dma_wait3A_64 = tpu.memref_slice %arg12[%run_scoped3A, %dma_wait3A_62, %dma_wait3A_63] : memref<1x128x64xf32, #tpu.memory_space<vmem>> -> memref<1x128x64xf32, #tpu.memory_space<vmem>>
      %dma_wait3A_65 = tpu.memref_squeeze %dma_wait3A_64 : memref<1x128x64xf32, #tpu.memory_space<vmem>> -> memref<128x64xf32, #tpu.memory_space<vmem>>
      tpu.wait_dma2 semaphore(%run_scoped3A_51 : memref<!tpu.dma_semaphore, #tpu.memory_space<semaphore_mem>>) src(%arg5 : memref<128x64xf32, #tpu.memory_space<hbm>>) dst(%dma_wait3A_65 : memref<128x64xf32, #tpu.memory_space<vmem>>)
      tpu.yield
    }) : () -> ()
    %add3A = arith.constant 0 : i32
    %add3A_1 = arith.addi %mul3A_0, %add3A : i32
    %run_scoped3A_2 = arith.constant 0 : i32
    "tpu.region"() ({
      %run_scoped3A_51 = tpu.sem_alloc : memref<!tpu.dma_semaphore, #tpu.memory_space<semaphore_mem>>
      %dma_start3A = arith.constant 0 : i32
      %dma_start3A_52 = arith.constant 0 : i32
      %dma_start3A_53 = tpu.memref_slice %arg12[%run_scoped3A_2, %dma_start3A, %dma_start3A_52] : memref<1x128x64xf32, #tpu.memory_space<vmem>> -> memref<1x128x64xf32, #tpu.memory_space<vmem>>
      %dma_start3A_54 = tpu.memref_squeeze %dma_start3A_53 : memref<1x128x64xf32, #tpu.memory_space<vmem>> -> memref<128x64xf32, #tpu.memory_space<vmem>>
      %dma_start3A_55 = arith.constant 0 : i32
      %dma_start3A_56 = tpu.memref_slice %arg15[%add3A_1, %dma_start3A_55] : memref<10240x64xf32, #tpu.memory_space<vmem_shared>> -> memref<128x64xf32, #tpu.memory_space<vmem_shared>>
      %dma_start3A_57 = arith.constant 0 : i32
      %dma_start3A_58 = tpu.memref_slice %arg15[%add3A_1, %dma_start3A_57] : memref<10240x64xf32, #tpu.memory_space<vmem_shared>> -> memref<128x64xf32, #tpu.memory_space<vmem_shared>>
      %dma_start3A_59 = arith.constant 0 : i32
      %dma_start3A_60 = arith.constant 0 : i32
      %dma_start3A_61 = tpu.memref_slice %arg12[%run_scoped3A_2, %dma_start3A_59, %dma_start3A_60] : memref<1x128x64xf32, #tpu.memory_space<vmem>> -> memref<1x128x64xf32, #tpu.memory_space<vmem>>
      %dma_start3A_62 = tpu.memref_squeeze %dma_start3A_61 : memref<1x128x64xf32, #tpu.memory_space<vmem>> -> memref<128x64xf32, #tpu.memory_space<vmem>>
      tpu.enqueue_dma source(%dma_start3A_62 : memref<128x64xf32, #tpu.memory_space<vmem>>) target(%dma_start3A_58 : memref<128x64xf32, #tpu.memory_space<vmem_shared>>) target_semaphore(%run_scoped3A_51 : memref<!tpu.dma_semaphore, #tpu.memory_space<semaphore_mem>>)
      %dma_wait3A = arith.constant 0 : i32
      %dma_wait3A_63 = arith.constant 0 : i32
      %dma_wait3A_64 = tpu.memref_slice %arg12[%run_scoped3A_2, %dma_wait3A, %dma_wait3A_63] : memref<1x128x64xf32, #tpu.memory_space<vmem>> -> memref<1x128x64xf32, #tpu.memory_space<vmem>>
      %dma_wait3A_65 = tpu.memref_squeeze %dma_wait3A_64 : memref<1x128x64xf32, #tpu.memory_space<vmem>> -> memref<128x64xf32, #tpu.memory_space<vmem>>
      %dma_wait3A_66 = arith.constant 0 : i32
      %dma_wait3A_67 = tpu.memref_slice %arg15[%add3A_1, %dma_wait3A_66] : memref<10240x64xf32, #tpu.memory_space<vmem_shared>> -> memref<128x64xf32, #tpu.memory_space<vmem_shared>>
      %dma_wait3A_68 = arith.constant 0 : i32
      %dma_wait3A_69 = tpu.memref_slice %arg15[%add3A_1, %dma_wait3A_68] : memref<10240x64xf32, #tpu.memory_space<vmem_shared>> -> memref<128x64xf32, #tpu.memory_space<vmem_shared>>
      %dma_wait3A_70 = arith.constant 0 : i32
      %dma_wait3A_71 = arith.constant 0 : i32
      %dma_wait3A_72 = tpu.memref_slice %arg12[%run_scoped3A_2, %dma_wait3A_70, %dma_wait3A_71] : memref<1x128x64xf32, #tpu.memory_space<vmem>> -> memref<1x128x64xf32, #tpu.memory_space<vmem>>
      %dma_wait3A_73 = tpu.memref_squeeze %dma_wait3A_72 : memref<1x128x64xf32, #tpu.memory_space<vmem>> -> memref<128x64xf32, #tpu.memory_space<vmem>>
      tpu.wait_dma2 semaphore(%run_scoped3A_51 : memref<!tpu.dma_semaphore, #tpu.memory_space<semaphore_mem>>) src(%dma_wait3A_73 : memref<128x64xf32, #tpu.memory_space<vmem>>) dst(%dma_wait3A_69 : memref<128x64xf32, #tpu.memory_space<vmem_shared>>)
      tpu.yield
    }) : () -> ()
    %add3A_3 = arith.constant 128 : i32
    %add3A_4 = arith.addi %mul3A_0, %add3A_3 : i32
    %run_scoped3A_5 = arith.constant 0 : i32
    "tpu.region"() ({
      %run_scoped3A_51 = tpu.sem_alloc : memref<!tpu.dma_semaphore, #tpu.memory_space<semaphore_mem>>
      %dma_start3A = arith.constant 0 : i32
      %dma_start3A_52 = arith.constant 0 : i32
      %dma_start3A_53 = tpu.memref_slice %arg12[%run_scoped3A_5, %dma_start3A, %dma_start3A_52] : memref<1x128x64xf32, #tpu.memory_space<vmem>> -> memref<1x128x64xf32, #tpu.memory_space<vmem>>
      %dma_start3A_54 = tpu.memref_squeeze %dma_start3A_53 : memref<1x128x64xf32, #tpu.memory_space<vmem>> -> memref<128x64xf32, #tpu.memory_space<vmem>>
      %dma_start3A_55 = arith.constant 0 : i32
      %dma_start3A_56 = tpu.memref_slice %arg15[%add3A_4, %dma_start3A_55] : memref<10240x64xf32, #tpu.memory_space<vmem_shared>> -> memref<128x64xf32, #tpu.memory_space<vmem_shared>>
      %dma_start3A_57 = arith.constant 0 : i32
      %dma_start3A_58 = tpu.memref_slice %arg15[%add3A_4, %dma_start3A_57] : memref<10240x64xf32, #tpu.memory_space<vmem_shared>> -> memref<128x64xf32, #tpu.memory_space<vmem_shared>>
      %dma_start3A_59 = arith.constant 0 : i32
      %dma_start3A_60 = arith.constant 0 : i32
      %dma_start3A_61 = tpu.memref_slice %arg12[%run_scoped3A_5, %dma_start3A_59, %dma_start3A_60] : memref<1x128x64xf32, #tpu.memory_space<vmem>> -> memref<1x128x64xf32, #tpu.memory_space<vmem>>
      %dma_start3A_62 = tpu.memref_squeeze %dma_start3A_61 : memref<1x128x64xf32, #tpu.memory_space<vmem>> -> memref<128x64xf32, #tpu.memory_space<vmem>>
      tpu.enqueue_dma source(%dma_start3A_62 : memref<128x64xf32, #tpu.memory_space<vmem>>) target(%dma_start3A_58 : memref<128x64xf32, #tpu.memory_space<vmem_shared>>) target_semaphore(%run_scoped3A_51 : memref<!tpu.dma_semaphore, #tpu.memory_space<semaphore_mem>>)
      %dma_wait3A = arith.constant 0 : i32
      %dma_wait3A_63 = arith.constant 0 : i32
      %dma_wait3A_64 = tpu.memref_slice %arg12[%run_scoped3A_5, %dma_wait3A, %dma_wait3A_63] : memref<1x128x64xf32, #tpu.memory_space<vmem>> -> memref<1x128x64xf32, #tpu.memory_space<vmem>>
      %dma_wait3A_65 = tpu.memref_squeeze %dma_wait3A_64 : memref<1x128x64xf32, #tpu.memory_space<vmem>> -> memref<128x64xf32, #tpu.memory_space<vmem>>
      %dma_wait3A_66 = arith.constant 0 : i32
      %dma_wait3A_67 = tpu.memref_slice %arg15[%add3A_4, %dma_wait3A_66] : memref<10240x64xf32, #tpu.memory_space<vmem_shared>> -> memref<128x64xf32, #tpu.memory_space<vmem_shared>>
      %dma_wait3A_68 = arith.constant 0 : i32
      %dma_wait3A_69 = tpu.memref_slice %arg15[%add3A_4, %dma_wait3A_68] : memref<10240x64xf32, #tpu.memory_space<vmem_shared>> -> memref<128x64xf32, #tpu.memory_space<vmem_shared>>
      %dma_wait3A_70 = arith.constant 0 : i32
      %dma_wait3A_71 = arith.constant 0 : i32
      %dma_wait3A_72 = tpu.memref_slice %arg12[%run_scoped3A_5, %dma_wait3A_70, %dma_wait3A_71] : memref<1x128x64xf32, #tpu.memory_space<vmem>> -> memref<1x128x64xf32, #tpu.memory_space<vmem>>
      %dma_wait3A_73 = tpu.memref_squeeze %dma_wait3A_72 : memref<1x128x64xf32, #tpu.memory_space<vmem>> -> memref<128x64xf32, #tpu.memory_space<vmem>>
      tpu.wait_dma2 semaphore(%run_scoped3A_51 : memref<!tpu.dma_semaphore, #tpu.memory_space<semaphore_mem>>) src(%dma_wait3A_73 : memref<128x64xf32, #tpu.memory_space<vmem>>) dst(%dma_wait3A_69 : memref<128x64xf32, #tpu.memory_space<vmem_shared>>)
      tpu.yield
    }) : () -> ()
    %add3A_6 = arith.constant 256 : i32
    %add3A_7 = arith.addi %mul3A_0, %add3A_6 : i32
    %run_scoped3A_8 = arith.constant 0 : i32
    "tpu.region"() ({
      %run_scoped3A_51 = tpu.sem_alloc : memref<!tpu.dma_semaphore, #tpu.memory_space<semaphore_mem>>
      %dma_start3A = arith.constant 0 : i32
      %dma_start3A_52 = arith.constant 0 : i32
      %dma_start3A_53 = tpu.memref_slice %arg12[%run_scoped3A_8, %dma_start3A, %dma_start3A_52] : memref<1x128x64xf32, #tpu.memory_space<vmem>> -> memref<1x128x64xf32, #tpu.memory_space<vmem>>
      %dma_start3A_54 = tpu.memref_squeeze %dma_start3A_53 : memref<1x128x64xf32, #tpu.memory_space<vmem>> -> memref<128x64xf32, #tpu.memory_space<vmem>>
      %dma_start3A_55 = arith.constant 0 : i32
      %dma_start3A_56 = tpu.memref_slice %arg15[%add3A_7, %dma_start3A_55] : memref<10240x64xf32, #tpu.memory_space<vmem_shared>> -> memref<128x64xf32, #tpu.memory_space<vmem_shared>>
      %dma_start3A_57 = arith.constant 0 : i32
      %dma_start3A_58 = tpu.memref_slice %arg15[%add3A_7, %dma_start3A_57] : memref<10240x64xf32, #tpu.memory_space<vmem_shared>> -> memref<128x64xf32, #tpu.memory_space<vmem_shared>>
      %dma_start3A_59 = arith.constant 0 : i32
      %dma_start3A_60 = arith.constant 0 : i32
      %dma_start3A_61 = tpu.memref_slice %arg12[%run_scoped3A_8, %dma_start3A_59, %dma_start3A_60] : memref<1x128x64xf32, #tpu.memory_space<vmem>> -> memref<1x128x64xf32, #tpu.memory_space<vmem>>
      %dma_start3A_62 = tpu.memref_squeeze %dma_start3A_61 : memref<1x128x64xf32, #tpu.memory_space<vmem>> -> memref<128x64xf32, #tpu.memory_space<vmem>>
      tpu.enqueue_dma source(%dma_start3A_62 : memref<128x64xf32, #tpu.memory_space<vmem>>) target(%dma_start3A_58 : memref<128x64xf32, #tpu.memory_space<vmem_shared>>) target_semaphore(%run_scoped3A_51 : memref<!tpu.dma_semaphore, #tpu.memory_space<semaphore_mem>>)
      %dma_wait3A = arith.constant 0 : i32
      %dma_wait3A_63 = arith.constant 0 : i32
      %dma_wait3A_64 = tpu.memref_slice %arg12[%run_scoped3A_8, %dma_wait3A, %dma_wait3A_63] : memref<1x128x64xf32, #tpu.memory_space<vmem>> -> memref<1x128x64xf32, #tpu.memory_space<vmem>>
      %dma_wait3A_65 = tpu.memref_squeeze %dma_wait3A_64 : memref<1x128x64xf32, #tpu.memory_space<vmem>> -> memref<128x64xf32, #tpu.memory_space<vmem>>
      %dma_wait3A_66 = arith.constant 0 : i32
      %dma_wait3A_67 = tpu.memref_slice %arg15[%add3A_7, %dma_wait3A_66] : memref<10240x64xf32, #tpu.memory_space<vmem_shared>> -> memref<128x64xf32, #tpu.memory_space<vmem_shared>>
      %dma_wait3A_68 = arith.constant 0 : i32
      %dma_wait3A_69 = tpu.memref_slice %arg15[%add3A_7, %dma_wait3A_68] : memref<10240x64xf32, #tpu.memory_space<vmem_shared>> -> memref<128x64xf32, #tpu.memory_space<vmem_shared>>
      %dma_wait3A_70 = arith.constant 0 : i32
      %dma_wait3A_71 = arith.constant 0 : i32
      %dma_wait3A_72 = tpu.memref_slice %arg12[%run_scoped3A_8, %dma_wait3A_70, %dma_wait3A_71] : memref<1x128x64xf32, #tpu.memory_space<vmem>> -> memref<1x128x64xf32, #tpu.memory_space<vmem>>
      %dma_wait3A_73 = tpu.memref_squeeze %dma_wait3A_72 : memref<1x128x64xf32, #tpu.memory_space<vmem>> -> memref<128x64xf32, #tpu.memory_space<vmem>>
      tpu.wait_dma2 semaphore(%run_scoped3A_51 : memref<!tpu.dma_semaphore, #tpu.memory_space<semaphore_mem>>) src(%dma_wait3A_73 : memref<128x64xf32, #tpu.memory_space<vmem>>) dst(%dma_wait3A_69 : memref<128x64xf32, #tpu.memory_space<vmem_shared>>)
      tpu.yield
    }) : () -> ()
    %add3A_9 = arith.constant 384 : i32
    %add3A_10 = arith.addi %mul3A_0, %add3A_9 : i32
    %run_scoped3A_11 = arith.constant 0 : i32
    "tpu.region"() ({
      %run_scoped3A_51 = tpu.sem_alloc : memref<!tpu.dma_semaphore, #tpu.memory_space<semaphore_mem>>
      %dma_start3A = arith.constant 0 : i32
      %dma_start3A_52 = arith.constant 0 : i32
      %dma_start3A_53 = tpu.memref_slice %arg12[%run_scoped3A_11, %dma_start3A, %dma_start3A_52] : memref<1x128x64xf32, #tpu.memory_space<vmem>> -> memref<1x128x64xf32, #tpu.memory_space<vmem>>
      %dma_start3A_54 = tpu.memref_squeeze %dma_start3A_53 : memref<1x128x64xf32, #tpu.memory_space<vmem>> -> memref<128x64xf32, #tpu.memory_space<vmem>>
      %dma_start3A_55 = arith.constant 0 : i32
      %dma_start3A_56 = tpu.memref_slice %arg15[%add3A_10, %dma_start3A_55] : memref<10240x64xf32, #tpu.memory_space<vmem_shared>> -> memref<128x64xf32, #tpu.memory_space<vmem_shared>>
      %dma_start3A_57 = arith.constant 0 : i32
      %dma_start3A_58 = tpu.memref_slice %arg15[%add3A_10, %dma_start3A_57] : memref<10240x64xf32, #tpu.memory_space<vmem_shared>> -> memref<128x64xf32, #tpu.memory_space<vmem_shared>>
      %dma_start3A_59 = arith.constant 0 : i32
      %dma_start3A_60 = arith.constant 0 : i32
      %dma_start3A_61 = tpu.memref_slice %arg12[%run_scoped3A_11, %dma_start3A_59, %dma_start3A_60] : memref<1x128x64xf32, #tpu.memory_space<vmem>> -> memref<1x128x64xf32, #tpu.memory_space<vmem>>
      %dma_start3A_62 = tpu.memref_squeeze %dma_start3A_61 : memref<1x128x64xf32, #tpu.memory_space<vmem>> -> memref<128x64xf32, #tpu.memory_space<vmem>>
      tpu.enqueue_dma source(%dma_start3A_62 : memref<128x64xf32, #tpu.memory_space<vmem>>) target(%dma_start3A_58 : memref<128x64xf32, #tpu.memory_space<vmem_shared>>) target_semaphore(%run_scoped3A_51 : memref<!tpu.dma_semaphore, #tpu.memory_space<semaphore_mem>>)
      %dma_wait3A = arith.constant 0 : i32
      %dma_wait3A_63 = arith.constant 0 : i32
      %dma_wait3A_64 = tpu.memref_slice %arg12[%run_scoped3A_11, %dma_wait3A, %dma_wait3A_63] : memref<1x128x64xf32, #tpu.memory_space<vmem>> -> memref<1x128x64xf32, #tpu.memory_space<vmem>>
      %dma_wait3A_65 = tpu.memref_squeeze %dma_wait3A_64 : memref<1x128x64xf32, #tpu.memory_space<vmem>> -> memref<128x64xf32, #tpu.memory_space<vmem>>
      %dma_wait3A_66 = arith.constant 0 : i32
      %dma_wait3A_67 = tpu.memref_slice %arg15[%add3A_10, %dma_wait3A_66] : memref<10240x64xf32, #tpu.memory_space<vmem_shared>> -> memref<128x64xf32, #tpu.memory_space<vmem_shared>>
      %dma_wait3A_68 = arith.constant 0 : i32
      %dma_wait3A_69 = tpu.memref_slice %arg15[%add3A_10, %dma_wait3A_68] : memref<10240x64xf32, #tpu.memory_space<vmem_shared>> -> memref<128x64xf32, #tpu.memory_space<vmem_shared>>
      %dma_wait3A_70 = arith.constant 0 : i32
      %dma_wait3A_71 = arith.constant 0 : i32
      %dma_wait3A_72 = tpu.memref_slice %arg12[%run_scoped3A_11, %dma_wait3A_70, %dma_wait3A_71] : memref<1x128x64xf32, #tpu.memory_space<vmem>> -> memref<1x128x64xf32, #tpu.memory_space<vmem>>
      %dma_wait3A_73 = tpu.memref_squeeze %dma_wait3A_72 : memref<1x128x64xf32, #tpu.memory_space<vmem>> -> memref<128x64xf32, #tpu.memory_space<vmem>>
      tpu.wait_dma2 semaphore(%run_scoped3A_51 : memref<!tpu.dma_semaphore, #tpu.memory_space<semaphore_mem>>) src(%dma_wait3A_73 : memref<128x64xf32, #tpu.memory_space<vmem>>) dst(%dma_wait3A_69 : memref<128x64xf32, #tpu.memory_space<vmem_shared>>)
      tpu.yield
    }) : () -> ()
    %add3A_12 = arith.constant 512 : i32
    %add3A_13 = arith.addi %mul3A_0, %add3A_12 : i32
    %run_scoped3A_14 = arith.constant 0 : i32
    "tpu.region"() ({
      %run_scoped3A_51 = tpu.sem_alloc : memref<!tpu.dma_semaphore, #tpu.memory_space<semaphore_mem>>
      %dma_start3A = arith.constant 0 : i32
      %dma_start3A_52 = arith.constant 0 : i32
      %dma_start3A_53 = tpu.memref_slice %arg12[%run_scoped3A_14, %dma_start3A, %dma_start3A_52] : memref<1x128x64xf32, #tpu.memory_space<vmem>> -> memref<1x128x64xf32, #tpu.memory_space<vmem>>
      %dma_start3A_54 = tpu.memref_squeeze %dma_start3A_53 : memref<1x128x64xf32, #tpu.memory_space<vmem>> -> memref<128x64xf32, #tpu.memory_space<vmem>>
      %dma_start3A_55 = arith.constant 0 : i32
      %dma_start3A_56 = tpu.memref_slice %arg15[%add3A_13, %dma_start3A_55] : memref<10240x64xf32, #tpu.memory_space<vmem_shared>> -> memref<128x64xf32, #tpu.memory_space<vmem_shared>>
      %dma_start3A_57 = arith.constant 0 : i32
      %dma_start3A_58 = tpu.memref_slice %arg15[%add3A_13, %dma_start3A_57] : memref<10240x64xf32, #tpu.memory_space<vmem_shared>> -> memref<128x64xf32, #tpu.memory_space<vmem_shared>>
      %dma_start3A_59 = arith.constant 0 : i32
      %dma_start3A_60 = arith.constant 0 : i32
      %dma_start3A_61 = tpu.memref_slice %arg12[%run_scoped3A_14, %dma_start3A_59, %dma_start3A_60] : memref<1x128x64xf32, #tpu.memory_space<vmem>> -> memref<1x128x64xf32, #tpu.memory_space<vmem>>
      %dma_start3A_62 = tpu.memref_squeeze %dma_start3A_61 : memref<1x128x64xf32, #tpu.memory_space<vmem>> -> memref<128x64xf32, #tpu.memory_space<vmem>>
      tpu.enqueue_dma source(%dma_start3A_62 : memref<128x64xf32, #tpu.memory_space<vmem>>) target(%dma_start3A_58 : memref<128x64xf32, #tpu.memory_space<vmem_shared>>) target_semaphore(%run_scoped3A_51 : memref<!tpu.dma_semaphore, #tpu.memory_space<semaphore_mem>>)
      %dma_wait3A = arith.constant 0 : i32
      %dma_wait3A_63 = arith.constant 0 : i32
      %dma_wait3A_64 = tpu.memref_slice %arg12[%run_scoped3A_14, %dma_wait3A, %dma_wait3A_63] : memref<1x128x64xf32, #tpu.memory_space<vmem>> -> memref<1x128x64xf32, #tpu.memory_space<vmem>>
      %dma_wait3A_65 = tpu.memref_squeeze %dma_wait3A_64 : memref<1x128x64xf32, #tpu.memory_space<vmem>> -> memref<128x64xf32, #tpu.memory_space<vmem>>
      %dma_wait3A_66 = arith.constant 0 : i32
      %dma_wait3A_67 = tpu.memref_slice %arg15[%add3A_13, %dma_wait3A_66] : memref<10240x64xf32, #tpu.memory_space<vmem_shared>> -> memref<128x64xf32, #tpu.memory_space<vmem_shared>>
      %dma_wait3A_68 = arith.constant 0 : i32
      %dma_wait3A_69 = tpu.memref_slice %arg15[%add3A_13, %dma_wait3A_68] : memref<10240x64xf32, #tpu.memory_space<vmem_shared>> -> memref<128x64xf32, #tpu.memory_space<vmem_shared>>
      %dma_wait3A_70 = arith.constant 0 : i32
      %dma_wait3A_71 = arith.constant 0 : i32
      %dma_wait3A_72 = tpu.memref_slice %arg12[%run_scoped3A_14, %dma_wait3A_70, %dma_wait3A_71] : memref<1x128x64xf32, #tpu.memory_space<vmem>> -> memref<1x128x64xf32, #tpu.memory_space<vmem>>
      %dma_wait3A_73 = tpu.memref_squeeze %dma_wait3A_72 : memref<1x128x64xf32, #tpu.memory_space<vmem>> -> memref<128x64xf32, #tpu.memory_space<vmem>>
      tpu.wait_dma2 semaphore(%run_scoped3A_51 : memref<!tpu.dma_semaphore, #tpu.memory_space<semaphore_mem>>) src(%dma_wait3A_73 : memref<128x64xf32, #tpu.memory_space<vmem>>) dst(%dma_wait3A_69 : memref<128x64xf32, #tpu.memory_space<vmem_shared>>)
      tpu.yield
    }) : () -> ()
    "tpu.region"() ({
      %run_scoped3A_51 = tpu.sem_alloc : memref<!tpu.dma_semaphore, #tpu.memory_space<semaphore_mem>>
      tpu.enqueue_dma source(%arg6 : memref<640x16xf32, #tpu.memory_space<hbm>>) target(%arg14 : memref<640x16xf32, #tpu.memory_space<vmem>>) target_semaphore(%run_scoped3A_51 : memref<!tpu.dma_semaphore, #tpu.memory_space<semaphore_mem>>)
      tpu.wait_dma2 semaphore(%run_scoped3A_51 : memref<!tpu.dma_semaphore, #tpu.memory_space<semaphore_mem>>) src(%arg6 : memref<640x16xf32, #tpu.memory_space<hbm>>) dst(%arg14 : memref<640x16xf32, #tpu.memory_space<vmem>>)
      tpu.yield
    }) : () -> ()
    "tpu.region"() ({
      %run_scoped3A_51 = tpu.sem_alloc : memref<!tpu.dma_semaphore, #tpu.memory_space<semaphore_mem>>
      %dma_start3A = arith.constant 0 : i32
      %dma_start3A_52 = tpu.memref_slice %arg16[%mul3A_0, %dma_start3A] : memref<10240x16xf32, #tpu.memory_space<vmem_shared>> -> memref<640x16xf32, #tpu.memory_space<vmem_shared>>
      %dma_start3A_53 = arith.constant 0 : i32
      %dma_start3A_54 = tpu.memref_slice %arg16[%mul3A_0, %dma_start3A_53] : memref<10240x16xf32, #tpu.memory_space<vmem_shared>> -> memref<640x16xf32, #tpu.memory_space<vmem_shared>>
      tpu.enqueue_dma source(%arg14 : memref<640x16xf32, #tpu.memory_space<vmem>>) target(%dma_start3A_54 : memref<640x16xf32, #tpu.memory_space<vmem_shared>>) target_semaphore(%run_scoped3A_51 : memref<!tpu.dma_semaphore, #tpu.memory_space<semaphore_mem>>)
      %dma_wait3A = arith.constant 0 : i32
      %dma_wait3A_55 = tpu.memref_slice %arg16[%mul3A_0, %dma_wait3A] : memref<10240x16xf32, #tpu.memory_space<vmem_shared>> -> memref<640x16xf32, #tpu.memory_space<vmem_shared>>
      %dma_wait3A_56 = arith.constant 0 : i32
      %dma_wait3A_57 = tpu.memref_slice %arg16[%mul3A_0, %dma_wait3A_56] : memref<10240x16xf32, #tpu.memory_space<vmem_shared>> -> memref<640x16xf32, #tpu.memory_space<vmem_shared>>
      tpu.wait_dma2 semaphore(%run_scoped3A_51 : memref<!tpu.dma_semaphore, #tpu.memory_space<semaphore_mem>>) src(%arg14 : memref<640x16xf32, #tpu.memory_space<vmem>>) dst(%dma_wait3A_57 : memref<640x16xf32, #tpu.memory_space<vmem_shared>>)
      tpu.yield
    }) : () -> ()
    "tpu.region"() ({
      %run_scoped3A_51 = tpu.sem_alloc : memref<!tpu.dma_semaphore, #tpu.memory_space<semaphore_mem>>
      tpu.enqueue_dma source(%arg7 : memref<128x16xf32, #tpu.memory_space<hbm>>) target(%arg13 : memref<128x16xf32, #tpu.memory_space<vmem>>) target_semaphore(%run_scoped3A_51 : memref<!tpu.dma_semaphore, #tpu.memory_space<semaphore_mem>>)
      tpu.wait_dma2 semaphore(%run_scoped3A_51 : memref<!tpu.dma_semaphore, #tpu.memory_space<semaphore_mem>>) src(%arg7 : memref<128x16xf32, #tpu.memory_space<hbm>>) dst(%arg13 : memref<128x16xf32, #tpu.memory_space<vmem>>)
      tpu.yield
    }) : () -> ()
    %barrier3A = arith.constant 0 : index
    tpu.barrier barrier_id(%barrier3A)
    %scan3A = arith.constant 0 : i32
    %scan3A_15 = arith.constant 0 : i32
    %scan3A_16 = arith.constant 157 : i32
    %scan3A_17 = arith.addi %scan3A_15, %scan3A_16 : i32
    %scan3A_18 = arith.constant 1 : i32
    scf.for %scan3A_51 = %scan3A_15 to %scan3A_17 step %scan3A_18  : i32 {
      %dma_start3A = arith.constant 0 : i32
      %dma_start3A_52 = arith.constant 0 : i32
      %dma_start3A_53 = arith.constant 0 : i32
      %dma_start3A_54 = tpu.memref_slice %arg12[%dma_start3A, %dma_start3A_52, %dma_start3A_53] : memref<1x128x64xf32, #tpu.memory_space<vmem>> -> memref<1x128x64xf32, #tpu.memory_space<vmem>>
      %dma_start3A_55 = tpu.memref_squeeze %dma_start3A_54 : memref<1x128x64xf32, #tpu.memory_space<vmem>> -> memref<128x64xf32, #tpu.memory_space<vmem>>
      %dma_start3A_56 = arith.constant 0 : i32
      %dma_start3A_57 = tpu.memref_slice %arg10[%scan3A_51, %dma_start3A_56] : memref<157x128xi32, #tpu.memory_space<vmem>> -> memref<1x128xi32, #tpu.memory_space<vmem>>
      %dma_start3A_58 = tpu.memref_squeeze %dma_start3A_57 : memref<1x128xi32, #tpu.memory_space<vmem>> -> memref<128xi32, #tpu.memory_space<vmem>>
      %dma_start3A_59 = arith.constant 0 : i32
      %dma_start3A_60 = arith.constant 0 : i32
      %dma_start3A_61 = tpu.memref_slice %arg4[%dma_start3A_59, %dma_start3A_60] : memref<20000x64xf32, #tpu.memory_space<hbm>> -> memref<20000x64xf32, #tpu.memory_space<hbm>>
      tpu.enqueue_indirect_dma source(%dma_start3A_61 : memref<20000x64xf32, #tpu.memory_space<hbm>>) target(%dma_start3A_55 : memref<128x64xf32, #tpu.memory_space<vmem>>) offsets(%dma_start3A_58 : memref<128xi32, #tpu.memory_space<vmem>>) semaphore(%arg17 : memref<!tpu.dma_semaphore, #tpu.memory_space<semaphore_mem>>)
      %dma_wait3A = arith.constant 0 : i32
      %dma_wait3A_62 = arith.constant 0 : i32
      %dma_wait3A_63 = arith.constant 0 : i32
      %dma_wait3A_64 = tpu.memref_slice %arg12[%dma_wait3A, %dma_wait3A_62, %dma_wait3A_63] : memref<1x128x64xf32, #tpu.memory_space<vmem>> -> memref<1x128x64xf32, #tpu.memory_space<vmem>>
      %dma_wait3A_65 = tpu.memref_squeeze %dma_wait3A_64 : memref<1x128x64xf32, #tpu.memory_space<vmem>> -> memref<128x64xf32, #tpu.memory_space<vmem>>
      %dma_wait3A_66 = arith.constant 0 : i32
      %dma_wait3A_67 = tpu.memref_slice %arg10[%scan3A_51, %dma_wait3A_66] : memref<157x128xi32, #tpu.memory_space<vmem>> -> memref<1x128xi32, #tpu.memory_space<vmem>>
      %dma_wait3A_68 = tpu.memref_squeeze %dma_wait3A_67 : memref<1x128xi32, #tpu.memory_space<vmem>> -> memref<128xi32, #tpu.memory_space<vmem>>
      %dma_wait3A_69 = arith.constant 0 : i32
      %dma_wait3A_70 = arith.constant 0 : i32
      %dma_wait3A_71 = tpu.memref_slice %arg4[%dma_wait3A_69, %dma_wait3A_70] : memref<20000x64xf32, #tpu.memory_space<hbm>> -> memref<20000x64xf32, #tpu.memory_space<hbm>>
      tpu.wait_indirect_dma semaphore(%arg17 : memref<!tpu.dma_semaphore, #tpu.memory_space<semaphore_mem>>) src(%dma_wait3A_71 : memref<20000x64xf32, #tpu.memory_space<hbm>>) dst(%dma_wait3A_65 : memref<128x64xf32, #tpu.memory_space<vmem>>)
      %run_scoped3A_72 = arith.constant 0 : i32
      "tpu.region"() ({
        %run_scoped3A_77 = tpu.sem_alloc : memref<!tpu.dma_semaphore, #tpu.memory_space<semaphore_mem>>
        %dma_start3A_78 = arith.constant 0 : i32
        %dma_start3A_79 = arith.constant 0 : i32
        %dma_start3A_80 = tpu.memref_slice %arg12[%run_scoped3A_72, %dma_start3A_78, %dma_start3A_79] : memref<1x128x64xf32, #tpu.memory_space<vmem>> -> memref<1x128x64xf32, #tpu.memory_space<vmem>>
        %dma_start3A_81 = tpu.memref_squeeze %dma_start3A_80 : memref<1x128x64xf32, #tpu.memory_space<vmem>> -> memref<128x64xf32, #tpu.memory_space<vmem>>
        %dma_start3A_82 = arith.constant 0 : i32
        %dma_start3A_83 = tpu.memref_slice %arg11[%scan3A_51, %dma_start3A_82] : memref<157x128xi32, #tpu.memory_space<vmem>> -> memref<1x128xi32, #tpu.memory_space<vmem>>
        %dma_start3A_84 = tpu.memref_squeeze %dma_start3A_83 : memref<1x128xi32, #tpu.memory_space<vmem>> -> memref<128xi32, #tpu.memory_space<vmem>>
        %dma_start3A_85 = arith.constant 0 : i32
        %dma_start3A_86 = arith.constant 0 : i32
        %dma_start3A_87 = tpu.memref_slice %arg15[%dma_start3A_85, %dma_start3A_86] : memref<10240x64xf32, #tpu.memory_space<vmem_shared>> -> memref<10240x64xf32, #tpu.memory_space<vmem_shared>>
        tpu.enqueue_indirect_dma source(%dma_start3A_81 : memref<128x64xf32, #tpu.memory_space<vmem>>) target(%dma_start3A_87 : memref<10240x64xf32, #tpu.memory_space<vmem_shared>>) offsets(%dma_start3A_84 : memref<128xi32, #tpu.memory_space<vmem>>) semaphore(%run_scoped3A_77 : memref<!tpu.dma_semaphore, #tpu.memory_space<semaphore_mem>>) {add = true}
        %dma_wait3A_88 = arith.constant 0 : i32
        %dma_wait3A_89 = arith.constant 0 : i32
        %dma_wait3A_90 = tpu.memref_slice %arg12[%run_scoped3A_72, %dma_wait3A_88, %dma_wait3A_89] : memref<1x128x64xf32, #tpu.memory_space<vmem>> -> memref<1x128x64xf32, #tpu.memory_space<vmem>>
        %dma_wait3A_91 = tpu.memref_squeeze %dma_wait3A_90 : memref<1x128x64xf32, #tpu.memory_space<vmem>> -> memref<128x64xf32, #tpu.memory_space<vmem>>
        %dma_wait3A_92 = arith.constant 0 : i32
        %dma_wait3A_93 = tpu.memref_slice %arg11[%scan3A_51, %dma_wait3A_92] : memref<157x128xi32, #tpu.memory_space<vmem>> -> memref<1x128xi32, #tpu.memory_space<vmem>>
        %dma_wait3A_94 = tpu.memref_squeeze %dma_wait3A_93 : memref<1x128xi32, #tpu.memory_space<vmem>> -> memref<128xi32, #tpu.memory_space<vmem>>
        %dma_wait3A_95 = arith.constant 0 : i32
        %dma_wait3A_96 = arith.constant 0 : i32
        %dma_wait3A_97 = tpu.memref_slice %arg15[%dma_wait3A_95, %dma_wait3A_96] : memref<10240x64xf32, #tpu.memory_space<vmem_shared>> -> memref<10240x64xf32, #tpu.memory_space<vmem_shared>>
        tpu.wait_indirect_dma semaphore(%run_scoped3A_77 : memref<!tpu.dma_semaphore, #tpu.memory_space<semaphore_mem>>) src(%dma_wait3A_91 : memref<128x64xf32, #tpu.memory_space<vmem>>) dst(%dma_wait3A_97 : memref<10240x64xf32, #tpu.memory_space<vmem_shared>>)
        tpu.yield
      }) : () -> ()
      %eq3A = arith.constant 0 : i32
      %eq3A_73 = arith.cmpi eq, %arg0, %eq3A : i32
      %lt3A = arith.constant 78 : i32
      %lt3A_74 = arith.cmpi slt, %scan3A_51, %lt3A : i32
      %ge3A = arith.constant 78 : i32
      %ge3A_75 = arith.cmpi sge, %scan3A_51, %ge3A : i32
      %select_n3A = arith.select %eq3A_73, %lt3A_74, %ge3A_75 : i1
      %convert_element_type3A = arith.extui %select_n3A : i1 to i32
      %cond3A = arith.constant 0 : i32
      %cond3A_76 = arith.cmpi ne, %convert_element_type3A, %cond3A : i32
      scf.if %cond3A_76 {
        "tpu.region"() ({
          %run_scoped3A_77 = tpu.sem_alloc : memref<!tpu.dma_semaphore, #tpu.memory_space<semaphore_mem>>
          %dma_start3A_78 = arith.constant 0 : i32
          %dma_start3A_79 = tpu.memref_slice %arg11[%scan3A_51, %dma_start3A_78] : memref<157x128xi32, #tpu.memory_space<vmem>> -> memref<1x128xi32, #tpu.memory_space<vmem>>
          %dma_start3A_80 = tpu.memref_squeeze %dma_start3A_79 : memref<1x128xi32, #tpu.memory_space<vmem>> -> memref<128xi32, #tpu.memory_space<vmem>>
          %dma_start3A_81 = arith.constant 0 : i32
          %dma_start3A_82 = arith.constant 0 : i32
          %dma_start3A_83 = tpu.memref_slice %arg16[%dma_start3A_81, %dma_start3A_82] : memref<10240x16xf32, #tpu.memory_space<vmem_shared>> -> memref<10240x16xf32, #tpu.memory_space<vmem_shared>>
          tpu.enqueue_indirect_dma source(%arg13 : memref<128x16xf32, #tpu.memory_space<vmem>>) target(%dma_start3A_83 : memref<10240x16xf32, #tpu.memory_space<vmem_shared>>) offsets(%dma_start3A_80 : memref<128xi32, #tpu.memory_space<vmem>>) semaphore(%run_scoped3A_77 : memref<!tpu.dma_semaphore, #tpu.memory_space<semaphore_mem>>) {add = true}
          %dma_wait3A_84 = arith.constant 0 : i32
          %dma_wait3A_85 = tpu.memref_slice %arg11[%scan3A_51, %dma_wait3A_84] : memref<157x128xi32, #tpu.memory_space<vmem>> -> memref<1x128xi32, #tpu.memory_space<vmem>>
          %dma_wait3A_86 = tpu.memref_squeeze %dma_wait3A_85 : memref<1x128xi32, #tpu.memory_space<vmem>> -> memref<128xi32, #tpu.memory_space<vmem>>
          %dma_wait3A_87 = arith.constant 0 : i32
          %dma_wait3A_88 = arith.constant 0 : i32
          %dma_wait3A_89 = tpu.memref_slice %arg16[%dma_wait3A_87, %dma_wait3A_88] : memref<10240x16xf32, #tpu.memory_space<vmem_shared>> -> memref<10240x16xf32, #tpu.memory_space<vmem_shared>>
          tpu.wait_indirect_dma semaphore(%run_scoped3A_77 : memref<!tpu.dma_semaphore, #tpu.memory_space<semaphore_mem>>) src(%arg13 : memref<128x16xf32, #tpu.memory_space<vmem>>) dst(%dma_wait3A_89 : memref<10240x16xf32, #tpu.memory_space<vmem_shared>>)
          tpu.yield
        }) : () -> ()
      } else {
      }
    }
    %scan3A_19 = arith.constant 157 : i32
    %barrier3A_20 = arith.constant 0 : index
    tpu.barrier barrier_id(%barrier3A_20)
    %add3A_21 = arith.constant 0 : i32
    %add3A_22 = arith.addi %mul3A_0, %add3A_21 : i32
    %run_scoped3A_23 = arith.constant 0 : i32
    "tpu.region"() ({
      %run_scoped3A_51 = tpu.sem_alloc : memref<!tpu.dma_semaphore, #tpu.memory_space<semaphore_mem>>
      %dma_start3A = arith.constant 0 : i32
      %dma_start3A_52 = arith.constant 0 : i32
      %dma_start3A_53 = tpu.memref_slice %arg12[%run_scoped3A_23, %dma_start3A, %dma_start3A_52] : memref<1x128x64xf32, #tpu.memory_space<vmem>> -> memref<1x128x64xf32, #tpu.memory_space<vmem>>
      %dma_start3A_54 = tpu.memref_squeeze %dma_start3A_53 : memref<1x128x64xf32, #tpu.memory_space<vmem>> -> memref<128x64xf32, #tpu.memory_space<vmem>>
      %dma_start3A_55 = arith.constant 0 : i32
      %dma_start3A_56 = tpu.memref_slice %arg15[%add3A_22, %dma_start3A_55] : memref<10240x64xf32, #tpu.memory_space<vmem_shared>> -> memref<128x64xf32, #tpu.memory_space<vmem_shared>>
      %dma_start3A_57 = arith.constant 0 : i32
      %dma_start3A_58 = arith.constant 0 : i32
      %dma_start3A_59 = tpu.memref_slice %arg12[%run_scoped3A_23, %dma_start3A_57, %dma_start3A_58] : memref<1x128x64xf32, #tpu.memory_space<vmem>> -> memref<1x128x64xf32, #tpu.memory_space<vmem>>
      %dma_start3A_60 = tpu.memref_squeeze %dma_start3A_59 : memref<1x128x64xf32, #tpu.memory_space<vmem>> -> memref<128x64xf32, #tpu.memory_space<vmem>>
      %dma_start3A_61 = arith.constant 0 : i32
      %dma_start3A_62 = tpu.memref_slice %arg15[%add3A_22, %dma_start3A_61] : memref<10240x64xf32, #tpu.memory_space<vmem_shared>> -> memref<128x64xf32, #tpu.memory_space<vmem_shared>>
      tpu.enqueue_dma source(%dma_start3A_62 : memref<128x64xf32, #tpu.memory_space<vmem_shared>>) target(%dma_start3A_60 : memref<128x64xf32, #tpu.memory_space<vmem>>) target_semaphore(%run_scoped3A_51 : memref<!tpu.dma_semaphore, #tpu.memory_space<semaphore_mem>>)
      %dma_wait3A = arith.constant 0 : i32
      %dma_wait3A_63 = arith.constant 0 : i32
      %dma_wait3A_64 = tpu.memref_slice %arg12[%run_scoped3A_23, %dma_wait3A, %dma_wait3A_63] : memref<1x128x64xf32, #tpu.memory_space<vmem>> -> memref<1x128x64xf32, #tpu.memory_space<vmem>>
      %dma_wait3A_65 = tpu.memref_squeeze %dma_wait3A_64 : memref<1x128x64xf32, #tpu.memory_space<vmem>> -> memref<128x64xf32, #tpu.memory_space<vmem>>
      %dma_wait3A_66 = arith.constant 0 : i32
      %dma_wait3A_67 = tpu.memref_slice %arg15[%add3A_22, %dma_wait3A_66] : memref<10240x64xf32, #tpu.memory_space<vmem_shared>> -> memref<128x64xf32, #tpu.memory_space<vmem_shared>>
      %dma_wait3A_68 = arith.constant 0 : i32
      %dma_wait3A_69 = arith.constant 0 : i32
      %dma_wait3A_70 = tpu.memref_slice %arg12[%run_scoped3A_23, %dma_wait3A_68, %dma_wait3A_69] : memref<1x128x64xf32, #tpu.memory_space<vmem>> -> memref<1x128x64xf32, #tpu.memory_space<vmem>>
      %dma_wait3A_71 = tpu.memref_squeeze %dma_wait3A_70 : memref<1x128x64xf32, #tpu.memory_space<vmem>> -> memref<128x64xf32, #tpu.memory_space<vmem>>
      %dma_wait3A_72 = arith.constant 0 : i32
      %dma_wait3A_73 = tpu.memref_slice %arg15[%add3A_22, %dma_wait3A_72] : memref<10240x64xf32, #tpu.memory_space<vmem_shared>> -> memref<128x64xf32, #tpu.memory_space<vmem_shared>>
      tpu.wait_dma2 semaphore(%run_scoped3A_51 : memref<!tpu.dma_semaphore, #tpu.memory_space<semaphore_mem>>) src(%dma_wait3A_73 : memref<128x64xf32, #tpu.memory_space<vmem_shared>>) dst(%dma_wait3A_71 : memref<128x64xf32, #tpu.memory_space<vmem>>)
      tpu.yield
    }) : () -> ()
    %add3A_24 = arith.constant 0 : i32
    %add3A_25 = arith.addi %mul3A_0, %add3A_24 : i32
    %run_scoped3A_26 = arith.constant 0 : i32
    "tpu.region"() ({
      %run_scoped3A_51 = tpu.sem_alloc : memref<!tpu.dma_semaphore, #tpu.memory_space<semaphore_mem>>
      %dma_start3A = arith.constant 0 : i32
      %dma_start3A_52 = arith.constant 0 : i32
      %dma_start3A_53 = tpu.memref_slice %arg12[%run_scoped3A_26, %dma_start3A, %dma_start3A_52] : memref<1x128x64xf32, #tpu.memory_space<vmem>> -> memref<1x128x64xf32, #tpu.memory_space<vmem>>
      %dma_start3A_54 = tpu.memref_squeeze %dma_start3A_53 : memref<1x128x64xf32, #tpu.memory_space<vmem>> -> memref<128x64xf32, #tpu.memory_space<vmem>>
      %dma_start3A_55 = arith.constant 0 : i32
      %dma_start3A_56 = tpu.memref_slice %arg8[%arg0, %add3A_25, %dma_start3A_55] : memref<2x10240x64xf32, #tpu.memory_space<hbm>> -> memref<1x128x64xf32, #tpu.memory_space<hbm>>
      %dma_start3A_57 = tpu.memref_squeeze %dma_start3A_56 : memref<1x128x64xf32, #tpu.memory_space<hbm>> -> memref<128x64xf32, #tpu.memory_space<hbm>>
      %dma_start3A_58 = arith.constant 0 : i32
      %dma_start3A_59 = tpu.memref_slice %arg8[%arg0, %add3A_25, %dma_start3A_58] : memref<2x10240x64xf32, #tpu.memory_space<hbm>> -> memref<1x128x64xf32, #tpu.memory_space<hbm>>
      %dma_start3A_60 = tpu.memref_squeeze %dma_start3A_59 : memref<1x128x64xf32, #tpu.memory_space<hbm>> -> memref<128x64xf32, #tpu.memory_space<hbm>>
      %dma_start3A_61 = arith.constant 0 : i32
      %dma_start3A_62 = arith.constant 0 : i32
      %dma_start3A_63 = tpu.memref_slice %arg12[%run_scoped3A_26, %dma_start3A_61, %dma_start3A_62] : memref<1x128x64xf32, #tpu.memory_space<vmem>> -> memref<1x128x64xf32, #tpu.memory_space<vmem>>
      %dma_start3A_64 = tpu.memref_squeeze %dma_start3A_63 : memref<1x128x64xf32, #tpu.memory_space<vmem>> -> memref<128x64xf32, #tpu.memory_space<vmem>>
      tpu.enqueue_dma source(%dma_start3A_64 : memref<128x64xf32, #tpu.memory_space<vmem>>) target(%dma_start3A_60 : memref<128x64xf32, #tpu.memory_space<hbm>>) target_semaphore(%run_scoped3A_51 : memref<!tpu.dma_semaphore, #tpu.memory_space<semaphore_mem>>)
      %dma_wait3A = arith.constant 0 : i32
      %dma_wait3A_65 = arith.constant 0 : i32
      %dma_wait3A_66 = tpu.memref_slice %arg12[%run_scoped3A_26, %dma_wait3A, %dma_wait3A_65] : memref<1x128x64xf32, #tpu.memory_space<vmem>> -> memref<1x128x64xf32, #tpu.memory_space<vmem>>
      %dma_wait3A_67 = tpu.memref_squeeze %dma_wait3A_66 : memref<1x128x64xf32, #tpu.memory_space<vmem>> -> memref<128x64xf32, #tpu.memory_space<vmem>>
      %dma_wait3A_68 = arith.constant 0 : i32
      %dma_wait3A_69 = tpu.memref_slice %arg8[%arg0, %add3A_25, %dma_wait3A_68] : memref<2x10240x64xf32, #tpu.memory_space<hbm>> -> memref<1x128x64xf32, #tpu.memory_space<hbm>>
      %dma_wait3A_70 = tpu.memref_squeeze %dma_wait3A_69 : memref<1x128x64xf32, #tpu.memory_space<hbm>> -> memref<128x64xf32, #tpu.memory_space<hbm>>
      %dma_wait3A_71 = arith.constant 0 : i32
      %dma_wait3A_72 = tpu.memref_slice %arg8[%arg0, %add3A_25, %dma_wait3A_71] : memref<2x10240x64xf32, #tpu.memory_space<hbm>> -> memref<1x128x64xf32, #tpu.memory_space<hbm>>
      %dma_wait3A_73 = tpu.memref_squeeze %dma_wait3A_72 : memref<1x128x64xf32, #tpu.memory_space<hbm>> -> memref<128x64xf32, #tpu.memory_space<hbm>>
      %dma_wait3A_74 = arith.constant 0 : i32
      %dma_wait3A_75 = arith.constant 0 : i32
      %dma_wait3A_76 = tpu.memref_slice %arg12[%run_scoped3A_26, %dma_wait3A_74, %dma_wait3A_75] : memref<1x128x64xf32, #tpu.memory_space<vmem>> -> memref<1x128x64xf32, #tpu.memory_space<vmem>>
      %dma_wait3A_77 = tpu.memref_squeeze %dma_wait3A_76 : memref<1x128x64xf32, #tpu.memory_space<vmem>> -> memref<128x64xf32, #tpu.memory_space<vmem>>
      tpu.wait_dma2 semaphore(%run_scoped3A_51 : memref<!tpu.dma_semaphore, #tpu.memory_space<semaphore_mem>>) src(%dma_wait3A_77 : memref<128x64xf32, #tpu.memory_space<vmem>>) dst(%dma_wait3A_73 : memref<128x64xf32, #tpu.memory_space<hbm>>)
      tpu.yield
    }) : () -> ()
    %add3A_27 = arith.constant 128 : i32
    %add3A_28 = arith.addi %mul3A_0, %add3A_27 : i32
    %run_scoped3A_29 = arith.constant 0 : i32
    "tpu.region"() ({
      %run_scoped3A_51 = tpu.sem_alloc : memref<!tpu.dma_semaphore, #tpu.memory_space<semaphore_mem>>
      %dma_start3A = arith.constant 0 : i32
      %dma_start3A_52 = arith.constant 0 : i32
      %dma_start3A_53 = tpu.memref_slice %arg12[%run_scoped3A_29, %dma_start3A, %dma_start3A_52] : memref<1x128x64xf32, #tpu.memory_space<vmem>> -> memref<1x128x64xf32, #tpu.memory_space<vmem>>
      %dma_start3A_54 = tpu.memref_squeeze %dma_start3A_53 : memref<1x128x64xf32, #tpu.memory_space<vmem>> -> memref<128x64xf32, #tpu.memory_space<vmem>>
      %dma_start3A_55 = arith.constant 0 : i32
      %dma_start3A_56 = tpu.memref_slice %arg15[%add3A_28, %dma_start3A_55] : memref<10240x64xf32, #tpu.memory_space<vmem_shared>> -> memref<128x64xf32, #tpu.memory_space<vmem_shared>>
      %dma_start3A_57 = arith.constant 0 : i32
      %dma_start3A_58 = arith.constant 0 : i32
      %dma_start3A_59 = tpu.memref_slice %arg12[%run_scoped3A_29, %dma_start3A_57, %dma_start3A_58] : memref<1x128x64xf32, #tpu.memory_space<vmem>> -> memref<1x128x64xf32, #tpu.memory_space<vmem>>
      %dma_start3A_60 = tpu.memref_squeeze %dma_start3A_59 : memref<1x128x64xf32, #tpu.memory_space<vmem>> -> memref<128x64xf32, #tpu.memory_space<vmem>>
      %dma_start3A_61 = arith.constant 0 : i32
      %dma_start3A_62 = tpu.memref_slice %arg15[%add3A_28, %dma_start3A_61] : memref<10240x64xf32, #tpu.memory_space<vmem_shared>> -> memref<128x64xf32, #tpu.memory_space<vmem_shared>>
      tpu.enqueue_dma source(%dma_start3A_62 : memref<128x64xf32, #tpu.memory_space<vmem_shared>>) target(%dma_start3A_60 : memref<128x64xf32, #tpu.memory_space<vmem>>) target_semaphore(%run_scoped3A_51 : memref<!tpu.dma_semaphore, #tpu.memory_space<semaphore_mem>>)
      %dma_wait3A = arith.constant 0 : i32
      %dma_wait3A_63 = arith.constant 0 : i32
      %dma_wait3A_64 = tpu.memref_slice %arg12[%run_scoped3A_29, %dma_wait3A, %dma_wait3A_63] : memref<1x128x64xf32, #tpu.memory_space<vmem>> -> memref<1x128x64xf32, #tpu.memory_space<vmem>>
      %dma_wait3A_65 = tpu.memref_squeeze %dma_wait3A_64 : memref<1x128x64xf32, #tpu.memory_space<vmem>> -> memref<128x64xf32, #tpu.memory_space<vmem>>
      %dma_wait3A_66 = arith.constant 0 : i32
      %dma_wait3A_67 = tpu.memref_slice %arg15[%add3A_28, %dma_wait3A_66] : memref<10240x64xf32, #tpu.memory_space<vmem_shared>> -> memref<128x64xf32, #tpu.memory_space<vmem_shared>>
      %dma_wait3A_68 = arith.constant 0 : i32
      %dma_wait3A_69 = arith.constant 0 : i32
      %dma_wait3A_70 = tpu.memref_slice %arg12[%run_scoped3A_29, %dma_wait3A_68, %dma_wait3A_69] : memref<1x128x64xf32, #tpu.memory_space<vmem>> -> memref<1x128x64xf32, #tpu.memory_space<vmem>>
      %dma_wait3A_71 = tpu.memref_squeeze %dma_wait3A_70 : memref<1x128x64xf32, #tpu.memory_space<vmem>> -> memref<128x64xf32, #tpu.memory_space<vmem>>
      %dma_wait3A_72 = arith.constant 0 : i32
      %dma_wait3A_73 = tpu.memref_slice %arg15[%add3A_28, %dma_wait3A_72] : memref<10240x64xf32, #tpu.memory_space<vmem_shared>> -> memref<128x64xf32, #tpu.memory_space<vmem_shared>>
      tpu.wait_dma2 semaphore(%run_scoped3A_51 : memref<!tpu.dma_semaphore, #tpu.memory_space<semaphore_mem>>) src(%dma_wait3A_73 : memref<128x64xf32, #tpu.memory_space<vmem_shared>>) dst(%dma_wait3A_71 : memref<128x64xf32, #tpu.memory_space<vmem>>)
      tpu.yield
    }) : () -> ()
    %add3A_30 = arith.constant 128 : i32
    %add3A_31 = arith.addi %mul3A_0, %add3A_30 : i32
    %run_scoped3A_32 = arith.constant 0 : i32
    "tpu.region"() ({
      %run_scoped3A_51 = tpu.sem_alloc : memref<!tpu.dma_semaphore, #tpu.memory_space<semaphore_mem>>
      %dma_start3A = arith.constant 0 : i32
      %dma_start3A_52 = arith.constant 0 : i32
      %dma_start3A_53 = tpu.memref_slice %arg12[%run_scoped3A_32, %dma_start3A, %dma_start3A_52] : memref<1x128x64xf32, #tpu.memory_space<vmem>> -> memref<1x128x64xf32, #tpu.memory_space<vmem>>
      %dma_start3A_54 = tpu.memref_squeeze %dma_start3A_53 : memref<1x128x64xf32, #tpu.memory_space<vmem>> -> memref<128x64xf32, #tpu.memory_space<vmem>>
      %dma_start3A_55 = arith.constant 0 : i32
      %dma_start3A_56 = tpu.memref_slice %arg8[%arg0, %add3A_31, %dma_start3A_55] : memref<2x10240x64xf32, #tpu.memory_space<hbm>> -> memref<1x128x64xf32, #tpu.memory_space<hbm>>
      %dma_start3A_57 = tpu.memref_squeeze %dma_start3A_56 : memref<1x128x64xf32, #tpu.memory_space<hbm>> -> memref<128x64xf32, #tpu.memory_space<hbm>>
      %dma_start3A_58 = arith.constant 0 : i32
      %dma_start3A_59 = tpu.memref_slice %arg8[%arg0, %add3A_31, %dma_start3A_58] : memref<2x10240x64xf32, #tpu.memory_space<hbm>> -> memref<1x128x64xf32, #tpu.memory_space<hbm>>
      %dma_start3A_60 = tpu.memref_squeeze %dma_start3A_59 : memref<1x128x64xf32, #tpu.memory_space<hbm>> -> memref<128x64xf32, #tpu.memory_space<hbm>>
      %dma_start3A_61 = arith.constant 0 : i32
      %dma_start3A_62 = arith.constant 0 : i32
      %dma_start3A_63 = tpu.memref_slice %arg12[%run_scoped3A_32, %dma_start3A_61, %dma_start3A_62] : memref<1x128x64xf32, #tpu.memory_space<vmem>> -> memref<1x128x64xf32, #tpu.memory_space<vmem>>
      %dma_start3A_64 = tpu.memref_squeeze %dma_start3A_63 : memref<1x128x64xf32, #tpu.memory_space<vmem>> -> memref<128x64xf32, #tpu.memory_space<vmem>>
      tpu.enqueue_dma source(%dma_start3A_64 : memref<128x64xf32, #tpu.memory_space<vmem>>) target(%dma_start3A_60 : memref<128x64xf32, #tpu.memory_space<hbm>>) target_semaphore(%run_scoped3A_51 : memref<!tpu.dma_semaphore, #tpu.memory_space<semaphore_mem>>)
      %dma_wait3A = arith.constant 0 : i32
      %dma_wait3A_65 = arith.constant 0 : i32
      %dma_wait3A_66 = tpu.memref_slice %arg12[%run_scoped3A_32, %dma_wait3A, %dma_wait3A_65] : memref<1x128x64xf32, #tpu.memory_space<vmem>> -> memref<1x128x64xf32, #tpu.memory_space<vmem>>
      %dma_wait3A_67 = tpu.memref_squeeze %dma_wait3A_66 : memref<1x128x64xf32, #tpu.memory_space<vmem>> -> memref<128x64xf32, #tpu.memory_space<vmem>>
      %dma_wait3A_68 = arith.constant 0 : i32
      %dma_wait3A_69 = tpu.memref_slice %arg8[%arg0, %add3A_31, %dma_wait3A_68] : memref<2x10240x64xf32, #tpu.memory_space<hbm>> -> memref<1x128x64xf32, #tpu.memory_space<hbm>>
      %dma_wait3A_70 = tpu.memref_squeeze %dma_wait3A_69 : memref<1x128x64xf32, #tpu.memory_space<hbm>> -> memref<128x64xf32, #tpu.memory_space<hbm>>
      %dma_wait3A_71 = arith.constant 0 : i32
      %dma_wait3A_72 = tpu.memref_slice %arg8[%arg0, %add3A_31, %dma_wait3A_71] : memref<2x10240x64xf32, #tpu.memory_space<hbm>> -> memref<1x128x64xf32, #tpu.memory_space<hbm>>
      %dma_wait3A_73 = tpu.memref_squeeze %dma_wait3A_72 : memref<1x128x64xf32, #tpu.memory_space<hbm>> -> memref<128x64xf32, #tpu.memory_space<hbm>>
      %dma_wait3A_74 = arith.constant 0 : i32
      %dma_wait3A_75 = arith.constant 0 : i32
      %dma_wait3A_76 = tpu.memref_slice %arg12[%run_scoped3A_32, %dma_wait3A_74, %dma_wait3A_75] : memref<1x128x64xf32, #tpu.memory_space<vmem>> -> memref<1x128x64xf32, #tpu.memory_space<vmem>>
      %dma_wait3A_77 = tpu.memref_squeeze %dma_wait3A_76 : memref<1x128x64xf32, #tpu.memory_space<vmem>> -> memref<128x64xf32, #tpu.memory_space<vmem>>
      tpu.wait_dma2 semaphore(%run_scoped3A_51 : memref<!tpu.dma_semaphore, #tpu.memory_space<semaphore_mem>>) src(%dma_wait3A_77 : memref<128x64xf32, #tpu.memory_space<vmem>>) dst(%dma_wait3A_73 : memref<128x64xf32, #tpu.memory_space<hbm>>)
      tpu.yield
    }) : () -> ()
    %add3A_33 = arith.constant 256 : i32
    %add3A_34 = arith.addi %mul3A_0, %add3A_33 : i32
    %run_scoped3A_35 = arith.constant 0 : i32
    "tpu.region"() ({
      %run_scoped3A_51 = tpu.sem_alloc : memref<!tpu.dma_semaphore, #tpu.memory_space<semaphore_mem>>
      %dma_start3A = arith.constant 0 : i32
      %dma_start3A_52 = arith.constant 0 : i32
      %dma_start3A_53 = tpu.memref_slice %arg12[%run_scoped3A_35, %dma_start3A, %dma_start3A_52] : memref<1x128x64xf32, #tpu.memory_space<vmem>> -> memref<1x128x64xf32, #tpu.memory_space<vmem>>
      %dma_start3A_54 = tpu.memref_squeeze %dma_start3A_53 : memref<1x128x64xf32, #tpu.memory_space<vmem>> -> memref<128x64xf32, #tpu.memory_space<vmem>>
      %dma_start3A_55 = arith.constant 0 : i32
      %dma_start3A_56 = tpu.memref_slice %arg15[%add3A_34, %dma_start3A_55] : memref<10240x64xf32, #tpu.memory_space<vmem_shared>> -> memref<128x64xf32, #tpu.memory_space<vmem_shared>>
      %dma_start3A_57 = arith.constant 0 : i32
      %dma_start3A_58 = arith.constant 0 : i32
      %dma_start3A_59 = tpu.memref_slice %arg12[%run_scoped3A_35, %dma_start3A_57, %dma_start3A_58] : memref<1x128x64xf32, #tpu.memory_space<vmem>> -> memref<1x128x64xf32, #tpu.memory_space<vmem>>
      %dma_start3A_60 = tpu.memref_squeeze %dma_start3A_59 : memref<1x128x64xf32, #tpu.memory_space<vmem>> -> memref<128x64xf32, #tpu.memory_space<vmem>>
      %dma_start3A_61 = arith.constant 0 : i32
      %dma_start3A_62 = tpu.memref_slice %arg15[%add3A_34, %dma_start3A_61] : memref<10240x64xf32, #tpu.memory_space<vmem_shared>> -> memref<128x64xf32, #tpu.memory_space<vmem_shared>>
      tpu.enqueue_dma source(%dma_start3A_62 : memref<128x64xf32, #tpu.memory_space<vmem_shared>>) target(%dma_start3A_60 : memref<128x64xf32, #tpu.memory_space<vmem>>) target_semaphore(%run_scoped3A_51 : memref<!tpu.dma_semaphore, #tpu.memory_space<semaphore_mem>>)
      %dma_wait3A = arith.constant 0 : i32
      %dma_wait3A_63 = arith.constant 0 : i32
      %dma_wait3A_64 = tpu.memref_slice %arg12[%run_scoped3A_35, %dma_wait3A, %dma_wait3A_63] : memref<1x128x64xf32, #tpu.memory_space<vmem>> -> memref<1x128x64xf32, #tpu.memory_space<vmem>>
      %dma_wait3A_65 = tpu.memref_squeeze %dma_wait3A_64 : memref<1x128x64xf32, #tpu.memory_space<vmem>> -> memref<128x64xf32, #tpu.memory_space<vmem>>
      %dma_wait3A_66 = arith.constant 0 : i32
      %dma_wait3A_67 = tpu.memref_slice %arg15[%add3A_34, %dma_wait3A_66] : memref<10240x64xf32, #tpu.memory_space<vmem_shared>> -> memref<128x64xf32, #tpu.memory_space<vmem_shared>>
      %dma_wait3A_68 = arith.constant 0 : i32
      %dma_wait3A_69 = arith.constant 0 : i32
      %dma_wait3A_70 = tpu.memref_slice %arg12[%run_scoped3A_35, %dma_wait3A_68, %dma_wait3A_69] : memref<1x128x64xf32, #tpu.memory_space<vmem>> -> memref<1x128x64xf32, #tpu.memory_space<vmem>>
      %dma_wait3A_71 = tpu.memref_squeeze %dma_wait3A_70 : memref<1x128x64xf32, #tpu.memory_space<vmem>> -> memref<128x64xf32, #tpu.memory_space<vmem>>
      %dma_wait3A_72 = arith.constant 0 : i32
      %dma_wait3A_73 = tpu.memref_slice %arg15[%add3A_34, %dma_wait3A_72] : memref<10240x64xf32, #tpu.memory_space<vmem_shared>> -> memref<128x64xf32, #tpu.memory_space<vmem_shared>>
      tpu.wait_dma2 semaphore(%run_scoped3A_51 : memref<!tpu.dma_semaphore, #tpu.memory_space<semaphore_mem>>) src(%dma_wait3A_73 : memref<128x64xf32, #tpu.memory_space<vmem_shared>>) dst(%dma_wait3A_71 : memref<128x64xf32, #tpu.memory_space<vmem>>)
      tpu.yield
    }) : () -> ()
    %add3A_36 = arith.constant 256 : i32
    %add3A_37 = arith.addi %mul3A_0, %add3A_36 : i32
    %run_scoped3A_38 = arith.constant 0 : i32
    "tpu.region"() ({
      %run_scoped3A_51 = tpu.sem_alloc : memref<!tpu.dma_semaphore, #tpu.memory_space<semaphore_mem>>
      %dma_start3A = arith.constant 0 : i32
      %dma_start3A_52 = arith.constant 0 : i32
      %dma_start3A_53 = tpu.memref_slice %arg12[%run_scoped3A_38, %dma_start3A, %dma_start3A_52] : memref<1x128x64xf32, #tpu.memory_space<vmem>> -> memref<1x128x64xf32, #tpu.memory_space<vmem>>
      %dma_start3A_54 = tpu.memref_squeeze %dma_start3A_53 : memref<1x128x64xf32, #tpu.memory_space<vmem>> -> memref<128x64xf32, #tpu.memory_space<vmem>>
      %dma_start3A_55 = arith.constant 0 : i32
      %dma_start3A_56 = tpu.memref_slice %arg8[%arg0, %add3A_37, %dma_start3A_55] : memref<2x10240x64xf32, #tpu.memory_space<hbm>> -> memref<1x128x64xf32, #tpu.memory_space<hbm>>
      %dma_start3A_57 = tpu.memref_squeeze %dma_start3A_56 : memref<1x128x64xf32, #tpu.memory_space<hbm>> -> memref<128x64xf32, #tpu.memory_space<hbm>>
      %dma_start3A_58 = arith.constant 0 : i32
      %dma_start3A_59 = tpu.memref_slice %arg8[%arg0, %add3A_37, %dma_start3A_58] : memref<2x10240x64xf32, #tpu.memory_space<hbm>> -> memref<1x128x64xf32, #tpu.memory_space<hbm>>
      %dma_start3A_60 = tpu.memref_squeeze %dma_start3A_59 : memref<1x128x64xf32, #tpu.memory_space<hbm>> -> memref<128x64xf32, #tpu.memory_space<hbm>>
      %dma_start3A_61 = arith.constant 0 : i32
      %dma_start3A_62 = arith.constant 0 : i32
      %dma_start3A_63 = tpu.memref_slice %arg12[%run_scoped3A_38, %dma_start3A_61, %dma_start3A_62] : memref<1x128x64xf32, #tpu.memory_space<vmem>> -> memref<1x128x64xf32, #tpu.memory_space<vmem>>
      %dma_start3A_64 = tpu.memref_squeeze %dma_start3A_63 : memref<1x128x64xf32, #tpu.memory_space<vmem>> -> memref<128x64xf32, #tpu.memory_space<vmem>>
      tpu.enqueue_dma source(%dma_start3A_64 : memref<128x64xf32, #tpu.memory_space<vmem>>) target(%dma_start3A_60 : memref<128x64xf32, #tpu.memory_space<hbm>>) target_semaphore(%run_scoped3A_51 : memref<!tpu.dma_semaphore, #tpu.memory_space<semaphore_mem>>)
      %dma_wait3A = arith.constant 0 : i32
      %dma_wait3A_65 = arith.constant 0 : i32
      %dma_wait3A_66 = tpu.memref_slice %arg12[%run_scoped3A_38, %dma_wait3A, %dma_wait3A_65] : memref<1x128x64xf32, #tpu.memory_space<vmem>> -> memref<1x128x64xf32, #tpu.memory_space<vmem>>
      %dma_wait3A_67 = tpu.memref_squeeze %dma_wait3A_66 : memref<1x128x64xf32, #tpu.memory_space<vmem>> -> memref<128x64xf32, #tpu.memory_space<vmem>>
      %dma_wait3A_68 = arith.constant 0 : i32
      %dma_wait3A_69 = tpu.memref_slice %arg8[%arg0, %add3A_37, %dma_wait3A_68] : memref<2x10240x64xf32, #tpu.memory_space<hbm>> -> memref<1x128x64xf32, #tpu.memory_space<hbm>>
      %dma_wait3A_70 = tpu.memref_squeeze %dma_wait3A_69 : memref<1x128x64xf32, #tpu.memory_space<hbm>> -> memref<128x64xf32, #tpu.memory_space<hbm>>
      %dma_wait3A_71 = arith.constant 0 : i32
      %dma_wait3A_72 = tpu.memref_slice %arg8[%arg0, %add3A_37, %dma_wait3A_71] : memref<2x10240x64xf32, #tpu.memory_space<hbm>> -> memref<1x128x64xf32, #tpu.memory_space<hbm>>
      %dma_wait3A_73 = tpu.memref_squeeze %dma_wait3A_72 : memref<1x128x64xf32, #tpu.memory_space<hbm>> -> memref<128x64xf32, #tpu.memory_space<hbm>>
      %dma_wait3A_74 = arith.constant 0 : i32
      %dma_wait3A_75 = arith.constant 0 : i32
      %dma_wait3A_76 = tpu.memref_slice %arg12[%run_scoped3A_38, %dma_wait3A_74, %dma_wait3A_75] : memref<1x128x64xf32, #tpu.memory_space<vmem>> -> memref<1x128x64xf32, #tpu.memory_space<vmem>>
      %dma_wait3A_77 = tpu.memref_squeeze %dma_wait3A_76 : memref<1x128x64xf32, #tpu.memory_space<vmem>> -> memref<128x64xf32, #tpu.memory_space<vmem>>
      tpu.wait_dma2 semaphore(%run_scoped3A_51 : memref<!tpu.dma_semaphore, #tpu.memory_space<semaphore_mem>>) src(%dma_wait3A_77 : memref<128x64xf32, #tpu.memory_space<vmem>>) dst(%dma_wait3A_73 : memref<128x64xf32, #tpu.memory_space<hbm>>)
      tpu.yield
    }) : () -> ()
    %add3A_39 = arith.constant 384 : i32
    %add3A_40 = arith.addi %mul3A_0, %add3A_39 : i32
    %run_scoped3A_41 = arith.constant 0 : i32
    "tpu.region"() ({
      %run_scoped3A_51 = tpu.sem_alloc : memref<!tpu.dma_semaphore, #tpu.memory_space<semaphore_mem>>
      %dma_start3A = arith.constant 0 : i32
      %dma_start3A_52 = arith.constant 0 : i32
      %dma_start3A_53 = tpu.memref_slice %arg12[%run_scoped3A_41, %dma_start3A, %dma_start3A_52] : memref<1x128x64xf32, #tpu.memory_space<vmem>> -> memref<1x128x64xf32, #tpu.memory_space<vmem>>
      %dma_start3A_54 = tpu.memref_squeeze %dma_start3A_53 : memref<1x128x64xf32, #tpu.memory_space<vmem>> -> memref<128x64xf32, #tpu.memory_space<vmem>>
      %dma_start3A_55 = arith.constant 0 : i32
      %dma_start3A_56 = tpu.memref_slice %arg15[%add3A_40, %dma_start3A_55] : memref<10240x64xf32, #tpu.memory_space<vmem_shared>> -> memref<128x64xf32, #tpu.memory_space<vmem_shared>>
      %dma_start3A_57 = arith.constant 0 : i32
      %dma_start3A_58 = arith.constant 0 : i32
      %dma_start3A_59 = tpu.memref_slice %arg12[%run_scoped3A_41, %dma_start3A_57, %dma_start3A_58] : memref<1x128x64xf32, #tpu.memory_space<vmem>> -> memref<1x128x64xf32, #tpu.memory_space<vmem>>
      %dma_start3A_60 = tpu.memref_squeeze %dma_start3A_59 : memref<1x128x64xf32, #tpu.memory_space<vmem>> -> memref<128x64xf32, #tpu.memory_space<vmem>>
      %dma_start3A_61 = arith.constant 0 : i32
      %dma_start3A_62 = tpu.memref_slice %arg15[%add3A_40, %dma_start3A_61] : memref<10240x64xf32, #tpu.memory_space<vmem_shared>> -> memref<128x64xf32, #tpu.memory_space<vmem_shared>>
      tpu.enqueue_dma source(%dma_start3A_62 : memref<128x64xf32, #tpu.memory_space<vmem_shared>>) target(%dma_start3A_60 : memref<128x64xf32, #tpu.memory_space<vmem>>) target_semaphore(%run_scoped3A_51 : memref<!tpu.dma_semaphore, #tpu.memory_space<semaphore_mem>>)
      %dma_wait3A = arith.constant 0 : i32
      %dma_wait3A_63 = arith.constant 0 : i32
      %dma_wait3A_64 = tpu.memref_slice %arg12[%run_scoped3A_41, %dma_wait3A, %dma_wait3A_63] : memref<1x128x64xf32, #tpu.memory_space<vmem>> -> memref<1x128x64xf32, #tpu.memory_space<vmem>>
      %dma_wait3A_65 = tpu.memref_squeeze %dma_wait3A_64 : memref<1x128x64xf32, #tpu.memory_space<vmem>> -> memref<128x64xf32, #tpu.memory_space<vmem>>
      %dma_wait3A_66 = arith.constant 0 : i32
      %dma_wait3A_67 = tpu.memref_slice %arg15[%add3A_40, %dma_wait3A_66] : memref<10240x64xf32, #tpu.memory_space<vmem_shared>> -> memref<128x64xf32, #tpu.memory_space<vmem_shared>>
      %dma_wait3A_68 = arith.constant 0 : i32
      %dma_wait3A_69 = arith.constant 0 : i32
      %dma_wait3A_70 = tpu.memref_slice %arg12[%run_scoped3A_41, %dma_wait3A_68, %dma_wait3A_69] : memref<1x128x64xf32, #tpu.memory_space<vmem>> -> memref<1x128x64xf32, #tpu.memory_space<vmem>>
      %dma_wait3A_71 = tpu.memref_squeeze %dma_wait3A_70 : memref<1x128x64xf32, #tpu.memory_space<vmem>> -> memref<128x64xf32, #tpu.memory_space<vmem>>
      %dma_wait3A_72 = arith.constant 0 : i32
      %dma_wait3A_73 = tpu.memref_slice %arg15[%add3A_40, %dma_wait3A_72] : memref<10240x64xf32, #tpu.memory_space<vmem_shared>> -> memref<128x64xf32, #tpu.memory_space<vmem_shared>>
      tpu.wait_dma2 semaphore(%run_scoped3A_51 : memref<!tpu.dma_semaphore, #tpu.memory_space<semaphore_mem>>) src(%dma_wait3A_73 : memref<128x64xf32, #tpu.memory_space<vmem_shared>>) dst(%dma_wait3A_71 : memref<128x64xf32, #tpu.memory_space<vmem>>)
      tpu.yield
    }) : () -> ()
    %add3A_42 = arith.constant 384 : i32
    %add3A_43 = arith.addi %mul3A_0, %add3A_42 : i32
    %run_scoped3A_44 = arith.constant 0 : i32
    "tpu.region"() ({
      %run_scoped3A_51 = tpu.sem_alloc : memref<!tpu.dma_semaphore, #tpu.memory_space<semaphore_mem>>
      %dma_start3A = arith.constant 0 : i32
      %dma_start3A_52 = arith.constant 0 : i32
      %dma_start3A_53 = tpu.memref_slice %arg12[%run_scoped3A_44, %dma_start3A, %dma_start3A_52] : memref<1x128x64xf32, #tpu.memory_space<vmem>> -> memref<1x128x64xf32, #tpu.memory_space<vmem>>
      %dma_start3A_54 = tpu.memref_squeeze %dma_start3A_53 : memref<1x128x64xf32, #tpu.memory_space<vmem>> -> memref<128x64xf32, #tpu.memory_space<vmem>>
      %dma_start3A_55 = arith.constant 0 : i32
      %dma_start3A_56 = tpu.memref_slice %arg8[%arg0, %add3A_43, %dma_start3A_55] : memref<2x10240x64xf32, #tpu.memory_space<hbm>> -> memref<1x128x64xf32, #tpu.memory_space<hbm>>
      %dma_start3A_57 = tpu.memref_squeeze %dma_start3A_56 : memref<1x128x64xf32, #tpu.memory_space<hbm>> -> memref<128x64xf32, #tpu.memory_space<hbm>>
      %dma_start3A_58 = arith.constant 0 : i32
      %dma_start3A_59 = tpu.memref_slice %arg8[%arg0, %add3A_43, %dma_start3A_58] : memref<2x10240x64xf32, #tpu.memory_space<hbm>> -> memref<1x128x64xf32, #tpu.memory_space<hbm>>
      %dma_start3A_60 = tpu.memref_squeeze %dma_start3A_59 : memref<1x128x64xf32, #tpu.memory_space<hbm>> -> memref<128x64xf32, #tpu.memory_space<hbm>>
      %dma_start3A_61 = arith.constant 0 : i32
      %dma_start3A_62 = arith.constant 0 : i32
      %dma_start3A_63 = tpu.memref_slice %arg12[%run_scoped3A_44, %dma_start3A_61, %dma_start3A_62] : memref<1x128x64xf32, #tpu.memory_space<vmem>> -> memref<1x128x64xf32, #tpu.memory_space<vmem>>
      %dma_start3A_64 = tpu.memref_squeeze %dma_start3A_63 : memref<1x128x64xf32, #tpu.memory_space<vmem>> -> memref<128x64xf32, #tpu.memory_space<vmem>>
      tpu.enqueue_dma source(%dma_start3A_64 : memref<128x64xf32, #tpu.memory_space<vmem>>) target(%dma_start3A_60 : memref<128x64xf32, #tpu.memory_space<hbm>>) target_semaphore(%run_scoped3A_51 : memref<!tpu.dma_semaphore, #tpu.memory_space<semaphore_mem>>)
      %dma_wait3A = arith.constant 0 : i32
      %dma_wait3A_65 = arith.constant 0 : i32
      %dma_wait3A_66 = tpu.memref_slice %arg12[%run_scoped3A_44, %dma_wait3A, %dma_wait3A_65] : memref<1x128x64xf32, #tpu.memory_space<vmem>> -> memref<1x128x64xf32, #tpu.memory_space<vmem>>
      %dma_wait3A_67 = tpu.memref_squeeze %dma_wait3A_66 : memref<1x128x64xf32, #tpu.memory_space<vmem>> -> memref<128x64xf32, #tpu.memory_space<vmem>>
      %dma_wait3A_68 = arith.constant 0 : i32
      %dma_wait3A_69 = tpu.memref_slice %arg8[%arg0, %add3A_43, %dma_wait3A_68] : memref<2x10240x64xf32, #tpu.memory_space<hbm>> -> memref<1x128x64xf32, #tpu.memory_space<hbm>>
      %dma_wait3A_70 = tpu.memref_squeeze %dma_wait3A_69 : memref<1x128x64xf32, #tpu.memory_space<hbm>> -> memref<128x64xf32, #tpu.memory_space<hbm>>
      %dma_wait3A_71 = arith.constant 0 : i32
      %dma_wait3A_72 = tpu.memref_slice %arg8[%arg0, %add3A_43, %dma_wait3A_71] : memref<2x10240x64xf32, #tpu.memory_space<hbm>> -> memref<1x128x64xf32, #tpu.memory_space<hbm>>
      %dma_wait3A_73 = tpu.memref_squeeze %dma_wait3A_72 : memref<1x128x64xf32, #tpu.memory_space<hbm>> -> memref<128x64xf32, #tpu.memory_space<hbm>>
      %dma_wait3A_74 = arith.constant 0 : i32
      %dma_wait3A_75 = arith.constant 0 : i32
      %dma_wait3A_76 = tpu.memref_slice %arg12[%run_scoped3A_44, %dma_wait3A_74, %dma_wait3A_75] : memref<1x128x64xf32, #tpu.memory_space<vmem>> -> memref<1x128x64xf32, #tpu.memory_space<vmem>>
      %dma_wait3A_77 = tpu.memref_squeeze %dma_wait3A_76 : memref<1x128x64xf32, #tpu.memory_space<vmem>> -> memref<128x64xf32, #tpu.memory_space<vmem>>
      tpu.wait_dma2 semaphore(%run_scoped3A_51 : memref<!tpu.dma_semaphore, #tpu.memory_space<semaphore_mem>>) src(%dma_wait3A_77 : memref<128x64xf32, #tpu.memory_space<vmem>>) dst(%dma_wait3A_73 : memref<128x64xf32, #tpu.memory_space<hbm>>)
      tpu.yield
    }) : () -> ()
    %add3A_45 = arith.constant 512 : i32
    %add3A_46 = arith.addi %mul3A_0, %add3A_45 : i32
    %run_scoped3A_47 = arith.constant 0 : i32
    "tpu.region"() ({
      %run_scoped3A_51 = tpu.sem_alloc : memref<!tpu.dma_semaphore, #tpu.memory_space<semaphore_mem>>
      %dma_start3A = arith.constant 0 : i32
      %dma_start3A_52 = arith.constant 0 : i32
      %dma_start3A_53 = tpu.memref_slice %arg12[%run_scoped3A_47, %dma_start3A, %dma_start3A_52] : memref<1x128x64xf32, #tpu.memory_space<vmem>> -> memref<1x128x64xf32, #tpu.memory_space<vmem>>
      %dma_start3A_54 = tpu.memref_squeeze %dma_start3A_53 : memref<1x128x64xf32, #tpu.memory_space<vmem>> -> memref<128x64xf32, #tpu.memory_space<vmem>>
      %dma_start3A_55 = arith.constant 0 : i32
      %dma_start3A_56 = tpu.memref_slice %arg15[%add3A_46, %dma_start3A_55] : memref<10240x64xf32, #tpu.memory_space<vmem_shared>> -> memref<128x64xf32, #tpu.memory_space<vmem_shared>>
      %dma_start3A_57 = arith.constant 0 : i32
      %dma_start3A_58 = arith.constant 0 : i32
      %dma_start3A_59 = tpu.memref_slice %arg12[%run_scoped3A_47, %dma_start3A_57, %dma_start3A_58] : memref<1x128x64xf32, #tpu.memory_space<vmem>> -> memref<1x128x64xf32, #tpu.memory_space<vmem>>
      %dma_start3A_60 = tpu.memref_squeeze %dma_start3A_59 : memref<1x128x64xf32, #tpu.memory_space<vmem>> -> memref<128x64xf32, #tpu.memory_space<vmem>>
      %dma_start3A_61 = arith.constant 0 : i32
      %dma_start3A_62 = tpu.memref_slice %arg15[%add3A_46, %dma_start3A_61] : memref<10240x64xf32, #tpu.memory_space<vmem_shared>> -> memref<128x64xf32, #tpu.memory_space<vmem_shared>>
      tpu.enqueue_dma source(%dma_start3A_62 : memref<128x64xf32, #tpu.memory_space<vmem_shared>>) target(%dma_start3A_60 : memref<128x64xf32, #tpu.memory_space<vmem>>) target_semaphore(%run_scoped3A_51 : memref<!tpu.dma_semaphore, #tpu.memory_space<semaphore_mem>>)
      %dma_wait3A = arith.constant 0 : i32
      %dma_wait3A_63 = arith.constant 0 : i32
      %dma_wait3A_64 = tpu.memref_slice %arg12[%run_scoped3A_47, %dma_wait3A, %dma_wait3A_63] : memref<1x128x64xf32, #tpu.memory_space<vmem>> -> memref<1x128x64xf32, #tpu.memory_space<vmem>>
      %dma_wait3A_65 = tpu.memref_squeeze %dma_wait3A_64 : memref<1x128x64xf32, #tpu.memory_space<vmem>> -> memref<128x64xf32, #tpu.memory_space<vmem>>
      %dma_wait3A_66 = arith.constant 0 : i32
      %dma_wait3A_67 = tpu.memref_slice %arg15[%add3A_46, %dma_wait3A_66] : memref<10240x64xf32, #tpu.memory_space<vmem_shared>> -> memref<128x64xf32, #tpu.memory_space<vmem_shared>>
      %dma_wait3A_68 = arith.constant 0 : i32
      %dma_wait3A_69 = arith.constant 0 : i32
      %dma_wait3A_70 = tpu.memref_slice %arg12[%run_scoped3A_47, %dma_wait3A_68, %dma_wait3A_69] : memref<1x128x64xf32, #tpu.memory_space<vmem>> -> memref<1x128x64xf32, #tpu.memory_space<vmem>>
      %dma_wait3A_71 = tpu.memref_squeeze %dma_wait3A_70 : memref<1x128x64xf32, #tpu.memory_space<vmem>> -> memref<128x64xf32, #tpu.memory_space<vmem>>
      %dma_wait3A_72 = arith.constant 0 : i32
      %dma_wait3A_73 = tpu.memref_slice %arg15[%add3A_46, %dma_wait3A_72] : memref<10240x64xf32, #tpu.memory_space<vmem_shared>> -> memref<128x64xf32, #tpu.memory_space<vmem_shared>>
      tpu.wait_dma2 semaphore(%run_scoped3A_51 : memref<!tpu.dma_semaphore, #tpu.memory_space<semaphore_mem>>) src(%dma_wait3A_73 : memref<128x64xf32, #tpu.memory_space<vmem_shared>>) dst(%dma_wait3A_71 : memref<128x64xf32, #tpu.memory_space<vmem>>)
      tpu.yield
    }) : () -> ()
    %add3A_48 = arith.constant 512 : i32
    %add3A_49 = arith.addi %mul3A_0, %add3A_48 : i32
    %run_scoped3A_50 = arith.constant 0 : i32
    "tpu.region"() ({
      %run_scoped3A_51 = tpu.sem_alloc : memref<!tpu.dma_semaphore, #tpu.memory_space<semaphore_mem>>
      %dma_start3A = arith.constant 0 : i32
      %dma_start3A_52 = arith.constant 0 : i32
      %dma_start3A_53 = tpu.memref_slice %arg12[%run_scoped3A_50, %dma_start3A, %dma_start3A_52] : memref<1x128x64xf32, #tpu.memory_space<vmem>> -> memref<1x128x64xf32, #tpu.memory_space<vmem>>
      %dma_start3A_54 = tpu.memref_squeeze %dma_start3A_53 : memref<1x128x64xf32, #tpu.memory_space<vmem>> -> memref<128x64xf32, #tpu.memory_space<vmem>>
      %dma_start3A_55 = arith.constant 0 : i32
      %dma_start3A_56 = tpu.memref_slice %arg8[%arg0, %add3A_49, %dma_start3A_55] : memref<2x10240x64xf32, #tpu.memory_space<hbm>> -> memref<1x128x64xf32, #tpu.memory_space<hbm>>
      %dma_start3A_57 = tpu.memref_squeeze %dma_start3A_56 : memref<1x128x64xf32, #tpu.memory_space<hbm>> -> memref<128x64xf32, #tpu.memory_space<hbm>>
      %dma_start3A_58 = arith.constant 0 : i32
      %dma_start3A_59 = tpu.memref_slice %arg8[%arg0, %add3A_49, %dma_start3A_58] : memref<2x10240x64xf32, #tpu.memory_space<hbm>> -> memref<1x128x64xf32, #tpu.memory_space<hbm>>
      %dma_start3A_60 = tpu.memref_squeeze %dma_start3A_59 : memref<1x128x64xf32, #tpu.memory_space<hbm>> -> memref<128x64xf32, #tpu.memory_space<hbm>>
      %dma_start3A_61 = arith.constant 0 : i32
      %dma_start3A_62 = arith.constant 0 : i32
      %dma_start3A_63 = tpu.memref_slice %arg12[%run_scoped3A_50, %dma_start3A_61, %dma_start3A_62] : memref<1x128x64xf32, #tpu.memory_space<vmem>> -> memref<1x128x64xf32, #tpu.memory_space<vmem>>
      %dma_start3A_64 = tpu.memref_squeeze %dma_start3A_63 : memref<1x128x64xf32, #tpu.memory_space<vmem>> -> memref<128x64xf32, #tpu.memory_space<vmem>>
      tpu.enqueue_dma source(%dma_start3A_64 : memref<128x64xf32, #tpu.memory_space<vmem>>) target(%dma_start3A_60 : memref<128x64xf32, #tpu.memory_space<hbm>>) target_semaphore(%run_scoped3A_51 : memref<!tpu.dma_semaphore, #tpu.memory_space<semaphore_mem>>)
      %dma_wait3A = arith.constant 0 : i32
      %dma_wait3A_65 = arith.constant 0 : i32
      %dma_wait3A_66 = tpu.memref_slice %arg12[%run_scoped3A_50, %dma_wait3A, %dma_wait3A_65] : memref<1x128x64xf32, #tpu.memory_space<vmem>> -> memref<1x128x64xf32, #tpu.memory_space<vmem>>
      %dma_wait3A_67 = tpu.memref_squeeze %dma_wait3A_66 : memref<1x128x64xf32, #tpu.memory_space<vmem>> -> memref<128x64xf32, #tpu.memory_space<vmem>>
      %dma_wait3A_68 = arith.constant 0 : i32
      %dma_wait3A_69 = tpu.memref_slice %arg8[%arg0, %add3A_49, %dma_wait3A_68] : memref<2x10240x64xf32, #tpu.memory_space<hbm>> -> memref<1x128x64xf32, #tpu.memory_space<hbm>>
      %dma_wait3A_70 = tpu.memref_squeeze %dma_wait3A_69 : memref<1x128x64xf32, #tpu.memory_space<hbm>> -> memref<128x64xf32, #tpu.memory_space<hbm>>
      %dma_wait3A_71 = arith.constant 0 : i32
      %dma_wait3A_72 = tpu.memref_slice %arg8[%arg0, %add3A_49, %dma_wait3A_71] : memref<2x10240x64xf32, #tpu.memory_space<hbm>> -> memref<1x128x64xf32, #tpu.memory_space<hbm>>
      %dma_wait3A_73 = tpu.memref_squeeze %dma_wait3A_72 : memref<1x128x64xf32, #tpu.memory_space<hbm>> -> memref<128x64xf32, #tpu.memory_space<hbm>>
      %dma_wait3A_74 = arith.constant 0 : i32
      %dma_wait3A_75 = arith.constant 0 : i32
      %dma_wait3A_76 = tpu.memref_slice %arg12[%run_scoped3A_50, %dma_wait3A_74, %dma_wait3A_75] : memref<1x128x64xf32, #tpu.memory_space<vmem>> -> memref<1x128x64xf32, #tpu.memory_space<vmem>>
      %dma_wait3A_77 = tpu.memref_squeeze %dma_wait3A_76 : memref<1x128x64xf32, #tpu.memory_space<vmem>> -> memref<128x64xf32, #tpu.memory_space<vmem>>
      tpu.wait_dma2 semaphore(%run_scoped3A_51 : memref<!tpu.dma_semaphore, #tpu.memory_space<semaphore_mem>>) src(%dma_wait3A_77 : memref<128x64xf32, #tpu.memory_space<vmem>>) dst(%dma_wait3A_73 : memref<128x64xf32, #tpu.memory_space<hbm>>)
      tpu.yield
    }) : () -> ()
    "tpu.region"() ({
      %run_scoped3A_51 = tpu.sem_alloc : memref<!tpu.dma_semaphore, #tpu.memory_space<semaphore_mem>>
      %dma_start3A = arith.constant 0 : i32
      %dma_start3A_52 = tpu.memref_slice %arg16[%mul3A_0, %dma_start3A] : memref<10240x16xf32, #tpu.memory_space<vmem_shared>> -> memref<640x16xf32, #tpu.memory_space<vmem_shared>>
      %dma_start3A_53 = arith.constant 0 : i32
      %dma_start3A_54 = tpu.memref_slice %arg16[%mul3A_0, %dma_start3A_53] : memref<10240x16xf32, #tpu.memory_space<vmem_shared>> -> memref<640x16xf32, #tpu.memory_space<vmem_shared>>
      tpu.enqueue_dma source(%dma_start3A_54 : memref<640x16xf32, #tpu.memory_space<vmem_shared>>) target(%arg14 : memref<640x16xf32, #tpu.memory_space<vmem>>) target_semaphore(%run_scoped3A_51 : memref<!tpu.dma_semaphore, #tpu.memory_space<semaphore_mem>>)
      %dma_wait3A = arith.constant 0 : i32
      %dma_wait3A_55 = tpu.memref_slice %arg16[%mul3A_0, %dma_wait3A] : memref<10240x16xf32, #tpu.memory_space<vmem_shared>> -> memref<640x16xf32, #tpu.memory_space<vmem_shared>>
      %dma_wait3A_56 = arith.constant 0 : i32
      %dma_wait3A_57 = tpu.memref_slice %arg16[%mul3A_0, %dma_wait3A_56] : memref<10240x16xf32, #tpu.memory_space<vmem_shared>> -> memref<640x16xf32, #tpu.memory_space<vmem_shared>>
      tpu.wait_dma2 semaphore(%run_scoped3A_51 : memref<!tpu.dma_semaphore, #tpu.memory_space<semaphore_mem>>) src(%dma_wait3A_57 : memref<640x16xf32, #tpu.memory_space<vmem_shared>>) dst(%arg14 : memref<640x16xf32, #tpu.memory_space<vmem>>)
      tpu.yield
    }) : () -> ()
    "tpu.region"() ({
      %run_scoped3A_51 = tpu.sem_alloc : memref<!tpu.dma_semaphore, #tpu.memory_space<semaphore_mem>>
      %dma_start3A = arith.constant 0 : i32
      %dma_start3A_52 = tpu.memref_slice %arg9[%arg0, %mul3A_0, %dma_start3A] : memref<2x10240x16xf32, #tpu.memory_space<hbm>> -> memref<1x640x16xf32, #tpu.memory_space<hbm>>
      %dma_start3A_53 = tpu.memref_squeeze %dma_start3A_52 : memref<1x640x16xf32, #tpu.memory_space<hbm>> -> memref<640x16xf32, #tpu.memory_space<hbm>>
      %dma_start3A_54 = arith.constant 0 : i32
      %dma_start3A_55 = tpu.memref_slice %arg9[%arg0, %mul3A_0, %dma_start3A_54] : memref<2x10240x16xf32, #tpu.memory_space<hbm>> -> memref<1x640x16xf32, #tpu.memory_space<hbm>>
      %dma_start3A_56 = tpu.memref_squeeze %dma_start3A_55 : memref<1x640x16xf32, #tpu.memory_space<hbm>> -> memref<640x16xf32, #tpu.memory_space<hbm>>
      tpu.enqueue_dma source(%arg14 : memref<640x16xf32, #tpu.memory_space<vmem>>) target(%dma_start3A_56 : memref<640x16xf32, #tpu.memory_space<hbm>>) target_semaphore(%run_scoped3A_51 : memref<!tpu.dma_semaphore, #tpu.memory_space<semaphore_mem>>)
      %dma_wait3A = arith.constant 0 : i32
      %dma_wait3A_57 = tpu.memref_slice %arg9[%arg0, %mul3A_0, %dma_wait3A] : memref<2x10240x16xf32, #tpu.memory_space<hbm>> -> memref<1x640x16xf32, #tpu.memory_space<hbm>>
      %dma_wait3A_58 = tpu.memref_squeeze %dma_wait3A_57 : memref<1x640x16xf32, #tpu.memory_space<hbm>> -> memref<640x16xf32, #tpu.memory_space<hbm>>
      %dma_wait3A_59 = arith.constant 0 : i32
      %dma_wait3A_60 = tpu.memref_slice %arg9[%arg0, %mul3A_0, %dma_wait3A_59] : memref<2x10240x16xf32, #tpu.memory_space<hbm>> -> memref<1x640x16xf32, #tpu.memory_space<hbm>>
      %dma_wait3A_61 = tpu.memref_squeeze %dma_wait3A_60 : memref<1x640x16xf32, #tpu.memory_space<hbm>> -> memref<640x16xf32, #tpu.memory_space<hbm>>
      tpu.wait_dma2 semaphore(%run_scoped3A_51 : memref<!tpu.dma_semaphore, #tpu.memory_space<semaphore_mem>>) src(%arg14 : memref<640x16xf32, #tpu.memory_space<vmem>>) dst(%dma_wait3A_61 : memref<640x16xf32, #tpu.memory_space<hbm>>)
      tpu.yield
    }) : () -> ()
    return
  }
}

module attributes {stable_mosaic.version = 14 : i64} {
  func.func @_tc_dense_body(%arg0: i32, %arg1: memref<1024x128xf32, #tpu.memory_space<vmem>>, %arg2: memref<2x1024x64xf32, #tpu.memory_space<vmem>>, %arg3: memref<2x1024x16xf32, #tpu.memory_space<vmem>>, %arg4: memref<128x128xf32, #tpu.memory_space<vmem>>, %arg5: memref<128x128xf32, #tpu.memory_space<vmem>>, %arg6: memref<128x128xf32, #tpu.memory_space<vmem>>, %arg7: memref<1x128xf32, #tpu.memory_space<vmem>>, %arg8: memref<1x128xf32, #tpu.memory_space<vmem>>, %arg9: memref<1024x128xf32, #tpu.memory_space<vmem>>) attributes {dimension_semantics = [#tpu.dimension_semantics<arbitrary>], iteration_bounds = array<i64: 10>, scalar_prefetch = 0 : i64, scratch_operands = 0 : i64, tpu.core_type = #tpu.core_type<tc>, window_params = [{transform_indices = @transform_0, window_bounds = array<i64: 1024, 128>}, {transform_indices = @transform_1, window_bounds = array<i64: 2, 1024, 64>}, {transform_indices = @transform_2, window_bounds = array<i64: 2, 1024, 16>}, {pipeline_mode = #tpu.pipeline_mode<synchronous>, transform_indices = @transform_3, window_bounds = array<i64: 128, 128>}, {pipeline_mode = #tpu.pipeline_mode<synchronous>, transform_indices = @transform_4, window_bounds = array<i64: 128, 128>}, {pipeline_mode = #tpu.pipeline_mode<synchronous>, transform_indices = @transform_5, window_bounds = array<i64: 128, 128>}, {pipeline_mode = #tpu.pipeline_mode<synchronous>, transform_indices = @transform_6, window_bounds = array<i64: 1, 128>}, {pipeline_mode = #tpu.pipeline_mode<synchronous>, transform_indices = @transform_7, window_bounds = array<i64: 1, 128>}, {transform_indices = @transform_8, window_bounds = array<i64: 1024, 128>}]} {
    %get3A = arith.constant 0 : index
    %get3A_0 = arith.constant 0 : index
    %get3A_1 = arith.constant 0 : index
    %get3A_2 = vector.load %arg3[%get3A, %get3A_0, %get3A_1] : memref<2x1024x16xf32, #tpu.memory_space<vmem>>, vector<1x1024x1xf32>
    %get3A_3 = vector.shape_cast %get3A_2 : vector<1x1024x1xf32> to vector<1024x1xf32>
    %get3A_4 = arith.constant 1 : index
    %get3A_5 = arith.constant 0 : index
    %get3A_6 = arith.constant 0 : index
    %get3A_7 = vector.load %arg3[%get3A_4, %get3A_5, %get3A_6] : memref<2x1024x16xf32, #tpu.memory_space<vmem>>, vector<1x1024x1xf32>
    %get3A_8 = vector.shape_cast %get3A_7 : vector<1x1024x1xf32> to vector<1024x1xf32>
    %add3A = arith.addf %get3A_3, %get3A_8 : vector<1024x1xf32>
    %max3A = arith.constant 1.000000e+00 : f32
    %max3A_9 = vector.broadcast %max3A : f32 to vector<1024x1xf32>
    %max3A_10 = arith.maximumf %add3A, %max3A_9 : vector<1024x1xf32>
    %div3A = arith.constant 1.000000e+00 : f32
    %div3A_11 = vector.broadcast %div3A : f32 to vector<1024x1xf32>
    %div3A_12 = arith.divf %div3A_11, %max3A_10 : vector<1024x1xf32>
    %get3A_13 = arith.constant 0 : index
    %get3A_14 = arith.constant 0 : index
    %get3A_15 = arith.constant 0 : index
    %get3A_16 = vector.load %arg2[%get3A_13, %get3A_14, %get3A_15] : memref<2x1024x64xf32, #tpu.memory_space<vmem>>, vector<1x1024x64xf32>
    %get3A_17 = vector.shape_cast %get3A_16 : vector<1x1024x64xf32> to vector<1024x64xf32>
    %mul3A = vector.broadcast %div3A_12 : vector<1024x1xf32> to vector<1024x64xf32>
    %mul3A_18 = arith.mulf %get3A_17, %mul3A : vector<1024x64xf32>
    %get3A_19 = arith.constant 1 : index
    %get3A_20 = arith.constant 0 : index
    %get3A_21 = arith.constant 0 : index
    %get3A_22 = vector.load %arg2[%get3A_19, %get3A_20, %get3A_21] : memref<2x1024x64xf32, #tpu.memory_space<vmem>>, vector<1x1024x64xf32>
    %get3A_23 = vector.shape_cast %get3A_22 : vector<1x1024x64xf32> to vector<1024x64xf32>
    %mul3A_24 = vector.broadcast %div3A_12 : vector<1024x1xf32> to vector<1024x64xf32>
    %mul3A_25 = arith.mulf %get3A_23, %mul3A_24 : vector<1024x64xf32>
    %get3A_26 = arith.constant 0 : index
    %get3A_27 = arith.constant 0 : index
    %get3A_28 = vector.load %arg4[%get3A_26, %get3A_27] : memref<128x128xf32, #tpu.memory_space<vmem>>, vector<64x128xf32>
    %dot_general3A = arith.constant dense<0.000000e+00> : vector<1024x128xf32>
    %dot_general3A_29 = tpu.matmul %mul3A_18, %get3A_28, %dot_general3A {dimension_numbers = #tpu.dot_dimension_numbers<[1], [0], [0], [1], [0, 0, 1, 1], [], []>, transpose_lhs_hint = false} : vector<1024x64xf32>, vector<64x128xf32>, vector<1024x128xf32> -> vector<1024x128xf32>
    %get3A_30 = arith.constant 64 : index
    %get3A_31 = arith.constant 0 : index
    %get3A_32 = vector.load %arg4[%get3A_30, %get3A_31] : memref<128x128xf32, #tpu.memory_space<vmem>>, vector<64x128xf32>
    %dot_general3A_33 = arith.constant dense<0.000000e+00> : vector<1024x128xf32>
    %dot_general3A_34 = tpu.matmul %mul3A_25, %get3A_32, %dot_general3A_33 {dimension_numbers = #tpu.dot_dimension_numbers<[1], [0], [0], [1], [0, 0, 1, 1], [], []>, transpose_lhs_hint = false} : vector<1024x64xf32>, vector<64x128xf32>, vector<1024x128xf32> -> vector<1024x128xf32>
    %add3A_35 = arith.addf %dot_general3A_29, %dot_general3A_34 : vector<1024x128xf32>
    %get3A_36 = arith.constant 0 : index
    %get3A_37 = arith.constant 0 : index
    %get3A_38 = vector.load %arg1[%get3A_36, %get3A_37] : memref<1024x128xf32, #tpu.memory_space<vmem>>, vector<1024x128xf32>
    %get3A_39 = arith.constant 0 : index
    %get3A_40 = arith.constant 0 : index
    %get3A_41 = vector.load %arg5[%get3A_39, %get3A_40] : memref<128x128xf32, #tpu.memory_space<vmem>>, vector<128x128xf32>
    %dot_general3A_42 = arith.constant dense<0.000000e+00> : vector<1024x128xf32>
    %dot_general3A_43 = tpu.matmul %get3A_38, %get3A_41, %dot_general3A_42 {dimension_numbers = #tpu.dot_dimension_numbers<[1], [0], [0], [1], [0, 0, 1, 1], [], []>, transpose_lhs_hint = false} : vector<1024x128xf32>, vector<128x128xf32>, vector<1024x128xf32> -> vector<1024x128xf32>
    %add3A_44 = arith.addf %add3A_35, %dot_general3A_43 : vector<1024x128xf32>
    %get3A_45 = arith.constant 0 : index
    %get3A_46 = arith.constant 0 : index
    %get3A_47 = vector.load %arg7[%get3A_45, %get3A_46] : memref<1x128xf32, #tpu.memory_space<vmem>>, vector<1x128xf32>
    %add3A_48 = vector.broadcast %get3A_47 : vector<1x128xf32> to vector<1024x128xf32>
    %add3A_49 = arith.addf %add3A_44, %add3A_48 : vector<1024x128xf32>
    %max3A_50 = arith.constant 0.000000e+00 : f32
    %max3A_51 = vector.broadcast %max3A_50 : f32 to vector<1024x128xf32>
    %max3A_52 = arith.maximumf %add3A_49, %max3A_51 : vector<1024x128xf32>
    %get3A_53 = arith.constant 0 : index
    %get3A_54 = arith.constant 0 : index
    %get3A_55 = vector.load %arg6[%get3A_53, %get3A_54] : memref<128x128xf32, #tpu.memory_space<vmem>>, vector<128x128xf32>
    %dot_general3A_56 = arith.constant dense<0.000000e+00> : vector<1024x128xf32>
    %dot_general3A_57 = tpu.matmul %max3A_52, %get3A_55, %dot_general3A_56 {dimension_numbers = #tpu.dot_dimension_numbers<[1], [0], [0], [1], [0, 0, 1, 1], [], []>, transpose_lhs_hint = false} : vector<1024x128xf32>, vector<128x128xf32>, vector<1024x128xf32> -> vector<1024x128xf32>
    %get3A_58 = arith.constant 0 : index
    %get3A_59 = arith.constant 0 : index
    %get3A_60 = vector.load %arg8[%get3A_58, %get3A_59] : memref<1x128xf32, #tpu.memory_space<vmem>>, vector<1x128xf32>
    %add3A_61 = vector.broadcast %get3A_60 : vector<1x128xf32> to vector<1024x128xf32>
    %add3A_62 = arith.addf %dot_general3A_57, %add3A_61 : vector<1024x128xf32>
    %swap3A = arith.constant 0 : index
    %swap3A_63 = arith.constant 0 : index
    %swap3A_64 = vector.load %arg9[%swap3A, %swap3A_63] : memref<1024x128xf32, #tpu.memory_space<vmem>>, vector<1024x128xf32>
    tpu.vector_store %arg9[%swap3A, %swap3A_63], %add3A_62 {strides = array<i32>} : memref<1024x128xf32, #tpu.memory_space<vmem>>, vector<1024x128xf32>,
    return
  }
  func.func @transform_0(%arg0: i32) -> (i32, i32) {
    %c0_i32 = arith.constant 0 : i32
    %c0_i32_0 = arith.constant 0 : i32
    return %arg0, %c0_i32 : i32, i32
  }
  func.func @transform_1(%arg0: i32) -> (i32, i32, i32) {
    %c0_i32 = arith.constant 0 : i32
    %c0_i32_0 = arith.constant 0 : i32
    %c0_i32_1 = arith.constant 0 : i32
    return %c0_i32, %arg0, %c0_i32_0 : i32, i32, i32
  }
  func.func @transform_2(%arg0: i32) -> (i32, i32, i32) {
    %c0_i32 = arith.constant 0 : i32
    %c0_i32_0 = arith.constant 0 : i32
    %c0_i32_1 = arith.constant 0 : i32
    return %c0_i32, %arg0, %c0_i32_0 : i32, i32, i32
  }
  func.func @transform_3(%arg0: i32) -> (i32, i32) {
    %c0_i32 = arith.constant 0 : i32
    %c0_i32_0 = arith.constant 0 : i32
    %c0_i32_1 = arith.constant 0 : i32
    return %c0_i32, %c0_i32_0 : i32, i32
  }
  func.func @transform_4(%arg0: i32) -> (i32, i32) {
    %c0_i32 = arith.constant 0 : i32
    %c0_i32_0 = arith.constant 0 : i32
    %c0_i32_1 = arith.constant 0 : i32
    return %c0_i32, %c0_i32_0 : i32, i32
  }
  func.func @transform_5(%arg0: i32) -> (i32, i32) {
    %c0_i32 = arith.constant 0 : i32
    %c0_i32_0 = arith.constant 0 : i32
    %c0_i32_1 = arith.constant 0 : i32
    return %c0_i32, %c0_i32_0 : i32, i32
  }
  func.func @transform_6(%arg0: i32) -> (i32, i32) {
    %c0_i32 = arith.constant 0 : i32
    %c0_i32_0 = arith.constant 0 : i32
    %c0_i32_1 = arith.constant 0 : i32
    return %c0_i32, %c0_i32_0 : i32, i32
  }
  func.func @transform_7(%arg0: i32) -> (i32, i32) {
    %c0_i32 = arith.constant 0 : i32
    %c0_i32_0 = arith.constant 0 : i32
    %c0_i32_1 = arith.constant 0 : i32
    return %c0_i32, %c0_i32_0 : i32, i32
  }
  func.func @transform_8(%arg0: i32) -> (i32, i32) {
    %c0_i32 = arith.constant 0 : i32
    %c0_i32_0 = arith.constant 0 : i32
    return %arg0, %c0_i32 : i32, i32
  }
}

</mosaic_0001>

<sc_bundles>
// kernel: kernel.4.cloned.1.call-start
scs
__scs_entry_jumppad:
0x0: {  	(pc) =	sbr.rel $0x88, $3  }
0x1: {  	(tag) =	ssettag $0x0;
	lr =	simm.s32 $0x1  }
0x2: {  	[smem:$0x3F9A] =	sst lr;
	_ =	strace $0xD0000000  }
0x3: {  	_ = 	snop  }
0x4: {  	_ = 	snop  }
0x5: {  	_ = 	snop  }
0x6: {  	_ = 	snop  }
0x7: {  	_ = 	snop  }
__scs_overlays_trampoline_lowered:
0x8: {  	[smem:$0x3FA9] =	sst s0  }
0x9: {  	[smem:$0x3FAA] =	sst s1  }
0xa: {  	[smem:$0x3FAB] =	sst s2  }
0xb: {  	[smem:$0x3FAC] =	sst s3  }
0xc: {  	[smem:$0x3FAD] =	sst s4  }
0xd: {  	[smem:$0x3FAE] =	sst s5  }
0xe: {  	[smem:$0x3FAF] =	sst s6  }
0xf: {  	[smem:$0x3FB0] =	sst s7  }
0x10: {  	[smem:$0x3FB1] =	sst s8  }
0x11: {  	[smem:$0x3FB2] =	sst s9;
	s0 =	simm.s32 @!p0 $0x0  }
0x12: {  	s1 =	sld [smem:$0x3F98];
	s0 =	simm.s32 @p0 $0x1  }
0x13: {  	[smem:$0x3FB3] =	sst s0;
	s0 =	simm.s32 @!p1 $0x0  }
0x14: {  	s2 =	sld [smem:$0x3F97];
	s0 =	simm.s32 @p1 $0x1  }
0x15: {  	[smem:$0x3FB4] =	sst s0;
	s0 =	simm.s32 @!p2 $0x0  }
0x16: {  	s3 =	sld [smem:$0x3FDB];
	s0 =	simm.s32 @p2 $0x1  }
0x17: {  	s4 =	simm.s32 $0x1BF5;
	[smem:$0x3FB6] =	sst s0  }
0x18: {  	s0 =	sld [smem:$0x3F99];
	_ =	swait.ge [sflag:s4], $0x0  }
0x19: {  	s7 =	sld [smem:$0x3F9A]  }
0x1a: {  	s8 =	sadd.s32 $0xFFFFE003, lr  }
0x1b: {  	s9 =	sadd.s32 $0xFFFFFEF7, lr;
	s5 =	simm.s32 $0xFFFFFFFF;
	p2 =	slt.u32 s8, $0xFFFFF086  }
0x1c: {  	p1 =	slt.u32 s9, $0xF7A;
	s5 =	simm.s32 @!p2 $0x0  }
0x1d: {  	s5 =	simm.s32 @p1 $0x1;
	p0 =	seq.s32 s7, s2  }
0x1e: {  	s7 =	smul.u32 @!p0 $0xF7A, s2;
	p2 =	seq.s32 @!p0 s5, $0x0  }
0x1f: {  	s9 =	smul.u32 $0xF7A, s1;
	s8 =	simm.s32 @!p0 $0x1BF5;
	p2 =	por !p2, p0  }
0x20: {  	[sflag:s8] =	ssyncset.s32 @!p0 $0xFFFFF086;
	s6 =	sadd.s32 @!p0 s3, s7;
	s7 =	simm.s32 @!p0 $0x108  }
0x21: {  	s3 =	sadd.s32 s3, s9;
	s6 =	sadd.s32 @!p0 $0x88, s6;
	s7 =	simm.s32 @p2 $0x1082  }
0x22: {  	[simem:s7], [sflag:s8] =	dma.local @!p0 [hbm:s6], $0xF7A  }
0x23: {  	s9 =	sor.u32 $0xD0000000, s2;
	s6 =	simm.s32 $0x108;
	_ =	swait.ge @!p0 [sflag:s8], $0x0  }
0x24: {  	s3 =	sadd.s32 $0x88, s3;
	s6 =	simm.s32 @!p1 $0x1082;
	[sflag:s4] =	ssyncset.s32 $0xFFFFF086  }
0x25: {  	[simem:s6], [sflag:s4] =	dma.local [hbm:s3], $0xF7A  }
0x26: {  	[smem:$0x3F9A] =	sst s1;
	(tag) =	ssettag s2;
	_ =	strace s9  }
0x27: {  	s1 =	sld [smem:$0x3FAA]  }
0x28: {  	s2 =	sld [smem:$0x3FAB]  }
0x29: {  	s4 =	sld [smem:$0x3FAD]  }
0x2a: {  	p0 =	seq.s32 s5, $0x0;
	s5 =	sld [smem:$0x3FAE]  }
0x2b: {  	s6 =	sld [smem:$0x3FAF]  }
0x2c: {  	s7 =	sld [smem:$0x3FB0]  }
0x2d: {  	s3 =	simm.s32 $0x108;
	s8 =	sld [smem:$0x3FB1]  }
0x2e: {  	s3 =	simm.s32 @!p0 $0x1082;
	s9 =	sld [smem:$0x3FB2]  }
0x2f: {  	lr =	sadd.s32 s0, s3;
	s0 =	sld [smem:$0x3FA9]  }
0x30: {  	s3 =	sld [smem:$0x3FAC]  }
0x31: {  	[smem:$0x3FB5] =	sst s10  }
0x32: {  	s10 =	sld [smem:$0x3FB3];
	_ =	sdelay $0x3  }
0x33: {  	p0 =	seq.s32 s10, $0x1;
	s10 =	sld [smem:$0x3FB5];
	_ =	sdelay $0x3  }
0x34: {  	[smem:$0x3FB5] =	sst s10  }
0x35: {  	s10 =	sld [smem:$0x3FB4];
	_ =	sdelay $0x3  }
0x36: {  	p1 =	seq.s32 s10, $0x1;
	s10 =	sld [smem:$0x3FB5];
	_ =	sdelay $0x3  }
0x37: {  	[smem:$0x3FB5] =	sst s10  }
0x38: {  	s10 =	sld [smem:$0x3FB6]  }
0x39: {  	_ = 	snop;
	(pc) =	sbr.ind lr, $3  }
0x3a: {  	_ = 	snop  }
0x3b: {  	_ = 	snop  }
0x3c: {  	p2 =	seq.s32 s10, $0x1;
	s10 =	sld [smem:$0x3FB5]  }
0x3d: {  	_ =	shalt  }
0x3e: {  	_ =	shalt  }
0x3f: {  	_ =	shalt  }
0x40: {  	_ =	shalt  }
0x41: {  	_ =	shalt  }
0x42: {  	_ =	shalt  }
0x43: {  	_ =	shalt  }
0x44: {  	_ =	shalt  }
0x45: {  	_ =	shalt  }
0x46: {  	_ =	shalt  }
0x47: {  	_ =	shalt  }
0x48: {  	_ =	shalt  }
0x49: {  	_ =	shalt  }
0x4a: {  	_ =	shalt  }
0x4b: {  	_ =	shalt  }
0x4c: {  	_ =	shalt  }
0x4d: {  	_ =	shalt  }
0x4e: {  	_ =	shalt  }
0x4f: {  	_ =	shalt  }
0x50: {  	_ =	shalt  }
0x51: {  	_ =	shalt  }
0x52: {  	_ =	shalt  }
0x53: {  	_ =	shalt  }
0x54: {  	_ =	shalt  }
0x55: {  	_ =	shalt  }
0x56: {  	_ =	shalt  }
0x57: {  	_ =	shalt  }
0x58: {  	_ =	shalt  }
0x59: {  	_ =	shalt  }
0x5a: {  	_ =	shalt  }
0x5b: {  	_ =	shalt  }
0x5c: {  	_ =	shalt  }
0x5d: {  	_ =	shalt  }
0x5e: {  	_ =	shalt  }
0x5f: {  	_ =	shalt  }
0x60: {  	_ =	shalt  }
0x61: {  	_ =	shalt  }
0x62: {  	_ =	shalt  }
0x63: {  	_ =	shalt  }
0x64: {  	_ =	shalt  }
0x65: {  	_ =	shalt  }
0x66: {  	_ =	shalt  }
0x67: {  	_ =	shalt  }
0x68: {  	_ =	shalt  }
0x69: {  	_ =	shalt  }
0x6a: {  	_ =	shalt  }
0x6b: {  	_ =	shalt  }
0x6c: {  	_ =	shalt  }
0x6d: {  	_ =	shalt  }
0x6e: {  	_ =	shalt  }
0x6f: {  	_ =	shalt  }
0x70: {  	_ =	shalt  }
0x71: {  	_ =	shalt  }
0x72: {  	_ =	shalt  }
0x73: {  	_ =	shalt  }
0x74: {  	_ =	shalt  }
0x75: {  	_ =	shalt  }
0x76: {  	_ =	shalt  }
0x77: {  	_ =	shalt  }
0x78: {  	_ =	shalt  }
0x79: {  	_ =	shalt  }
0x7a: {  	_ =	shalt  }
0x7b: {  	_ =	shalt  }
0x7c: {  	_ =	shalt  }
0x7d: {  	_ =	shalt  }
0x7e: {  	_ =	shalt  }
0x7f: {  	_ =	shalt  }
0x80: {  	_ =	shalt  }
0x81: {  	_ =	shalt  }
0x82: {  	_ =	shalt  }
0x83: {  	_ =	shalt  }
0x84: {  	_ =	shalt  }
0x85: {  	_ =	shalt  }
0x86: {  	_ =	shalt  }
0x87: {  	_ =	shalt  }
.Lfunc_end0:
.L_simem_size_0:
called_computation_lowered:
.L_overlay_start_0:
0x88: {  	s2 =	sld [smem:$0x3FD9]  }
0x89: {  	s3 =	sld [smem:$0x3FFE];
	_ =	sdelay $0x1  }
0x8a: {  	s1 =	srdreg.scid  }
0x8b: {  	s0 =	sand.u32 $0x1, s1  }
0x8c: {  	s17 =	sshll.u32 s0, $0xA;
	s2 =	sadd.s32 s3, s2  }
0x8d: {  	s2 =	sadd.s32 s2, s17  }
0x8e: {  	[smem:$0x3FC1] =	sst s2  }
0x8f: {  	_ = 	snop  }
0x90: {  	s2 =	sld [smem:$0x3FD0];
	(tm) =	ssettm $0x1  }
0x91: {  	s18 =	sld [smem:$0x3FFB];
	_ =	sdelay $0x3  }
0x92: {  	_ =	strace s18  }
0x93: {  	s3 =	sld [smem:$0x3FFC];
	_ =	sdelay $0x3  }
0x94: {  	_ =	strace s3  }
0x95: {  	s3 =	sld [smem:$0x3FFD];
	_ =	sdelay $0x3  }
0x96: {  	_ =	strace s3  }
0x97: {  	_ =	strace $0x8FFFFFFF  }
0x98: {  	s19 =	sld [smem:$0x3FDB];
	_ =	sdelay $0x1  }
0x99: {  	s4 =	simm.s32 $_scs_section_size  }
0x9a: {  	s5 =	simm.s32 $_size__tile_overlayer_lowered;
	s6 =	simm.s32 $_tile_overlayer_lowered  }
0x9b: {  	s22 =	simm.s32 $0x1BFF;
	s21 =	sshll.u32 s6, $0x1;
	s3 =	sadd.s32 s4, s19  }
0x9c: {  	s7 =	simm.s32 $0x0;
	s20 =	sshll.u32 s5, $0x1;
	s5 =	sadd.s32 s21, s3  }
0x9d: {  	[timem:s7], [sflag:s22] =	dma.local [hbm:s5], s20  }
0x9e: {  	_ =	swait.ge [sflag:s22], s20  }
0x9f: {  	s4 =	ssub.s32 $0x0, s20;
	[sflag:s22] =	ssyncset.done $0x0  }
0xa0: {  	[sflag:s22] =	ssyncadd.s32 s4;
	_ =	sdelay $0x1  }
0xa1: {  	s23 =	simm.s32 $0x1B8B  }
0xa2: {  	_ =	swait.ge [sflag:s23], $0x1  }
0xa3: {  	[sflag:s23] =	ssyncset.done $0x0  }
0xa4: {  	s25 =	simm.s32 $0x1B8E;
	s24 =	sld [smem:$0x3FFE];
	[sflag:s23] =	ssyncadd.s32 $0xFFFFFFFF  }
0xa5: {  	s26 =	simm.s32 $execute0_lowered;
	[smem:$0x3FD2] =	sst s25  }
0xa6: {  	s5 =	sshll.u32 s26, $0x1;
	_ =	strace $0x80000046;
	[dreg:$0x1] =	wrdreg $0xFFFFFFFF  }
0xa7: {  	s28 =	simm.s32 $_size_execute0_lowered;
	s3 =	sadd.s32 s3, s5;
	[dreg:$0x0] =	wrdreg $0x0  }
0xa8: {  	s5 =	sshll.u32 s28, $0x1;
	[dreg:$0x2] =	wrdreg s3  }
0xa9: {  	[dreg:$0x3] =	wrdreg s5  }
0xaa: {  	[dreg:$0x4] =	wrdreg $0xC0  }
0xab: {  	_ =	task [dreg:s7], $0x5FFFF  }
0xac: {  	[dreg:$0x1] =	wrdreg $0xFFFFFFFF  }
0xad: {  	[dreg:$0x0] =	wrdreg $0x60  }
0xae: {  	[dreg:$0x2] =	wrdreg s24  }
0xaf: {  	[dreg:$0x3] =	wrdreg s2  }
0xb0: {  	[dreg:$0x4] =	wrdreg $0xED000  }
0xb1: {  	[dreg:$0x5] =	wrdreg $0x18D000  }
0xb2: {  	[dreg:$0x6] =	wrdreg $0x9  }
0xb3: {  	_ =	task.clear_ibuf [dreg:s7], $0x7FFFF;
	_ =	strace $0x90000046  }
0xb4: {  	s29 =	simm.s32 $0x9;
	_ =	strace $0x80000048  }
0xb5: {  	_ =	swait.ge [sflag:s29], $0x1  }
0xb6: {  	[sflag:s29] =	ssyncadd.s32 $0xFFFFFFFF  }
0xb7: {  	_ =	strace $0x90000048  }
0xb8: {  	_ =	sfence  }
0xb9: {  	s30 =	sld [smem:$0x0];
	_ =	sdelay $0x2  }
0xba: {  	s31 =	sshll.u32 s1, $0xD;
	s1 =	sshrl.u32 s1, $0x2  }
0xbb: {  	s3 =	sand.u32 $0x4000, s31;
	s1 =	sadd.s32 s1, s30  }
0xbc: {  	s0 =	sor.u32 s3, s0;
	s1 =	sshll.u32 s1, $0x11  }
0xbd: {  	s0 =	sor.u32 s1, s0  }
0xbe: {  	s0 =	sadd.s32 $0x8F2B, s0  }
0xbf: {  	[sflag:s0] =	ssyncadd.remote.s32 $0x1  }
0xc0: {  	_ =	sfence.sel $0xFFFF  }
0xc1: {  	[dreg:$0x0] =	wrdreg $0xFFFFFFFF;
	(pc) =	sbr.abs _section_cstart, $3  }
0xc2: {  	[dreg:$0x1] =	wrdreg $0xFFFFFFFF  }
0xc3: {  	_ =	task.clear_ibuf [dreg:s7], $0x2FFFF;
	_ =	strace $0x9FFFFFFF  }
0xc4: {  	(tm) =	ssettm $0x7FFFFFFF  }
0xc5: {  	_ =	shalt  }
tec
execute0_lowered:
.L_overlay_start_1:
0x0: {  	(tag) =	ssettag $0x1  }
0x1: {  	s0 =	rddreg [dreg:$0x0]  }
0x2: {  	s1 =	rddreg [dreg:$0x1]  }
0x3: {  	s2 =	srdreg.scid;
	s3 =	rddreg [dreg:$0x2]  }
0x4: {  	s12 =	stileid.u32;
	s4 =	rddreg [dreg:$0x3];
	s5 =	simm.s32 $0x0  }
0x5: {  	s29 =	simm.s32 $0x80;
	s30 =	simm.s32 $0x1;
	s31 =	simm.s32 $0x3  }
0x6: {  	s2 =	sand.u32 $0x1, s2;
	s6 =	smul.u32 $0x4E80, s12;
	[smem:$0x7FF] =	sst s5  }
0x7: {  	s8 =	smul.u32 $0x2800, s12;
	s10 =	sadd.s32 $0x1F200, s0;
	s17 =	sadd.s32 $0x1F600, s0  }
0x8: {  	s15 =	smul.u32 $0xA000, s12;
	_ =	strace $0x80000047;
	[dreg:$0x5] =	wrdreg s10  }
0x9: {  	s18 =	sadd.s32 $0x1F000, s0;
	s7 =	smul.u32 $0x4E800, s2;
	[dreg:$0x6] =	wrdreg s17  }
0xa: {  	s21 =	sadd.s32 $0x1FC00, s0;
	s9 =	smul.u32 $0x28000, s2;
	[dreg:$0x7] =	wrdreg s18  }
0xb: {  	s19 =	ssub.s32 $0x2, s2;
	s16 =	smul.u32 $0xA0000, s2;
	p0 =	seq.s32 s2, $0x0  }
0xc: {  	s2 =	simm.s32 $0x0;
	s11 =	sshrl.u32 s19, $0x1;
	s20 =	sadd.s32 $0x2000, s15  }
0xd: {  	s22 =	sadd.s32 $0x4000, s15;
	s17 =	sadd.s32 $0x6000, s15;
	s18 =	sadd.s32 $0x8000, s15  }
0xe: {  	s7 =	sadd.s32 s6, s7;
	s6 =	sshrl.u32 s6, $0x3;
	s9 =	sadd.s32 s8, s9  }
0xf: {  	s23 =	ssub.s32 s19, s11;
	s11 =	sadd.s32 s15, s3;
	s12 =	sadd.s32 s20, s3  }
0x10: {  	s13 =	sadd.s32 s22, s3;
	s14 =	sadd.s32 s17, s3;
	s19 =	sadd.s32 s15, s16  }
0x11: {  	s15 =	sadd.s32 s18, s3;
	s7 =	sshrl.u32 s7, $0x3;
	s6 =	sadd.s32 s6, s0  }
0x12: {  	s9 =	sshrl.u32 s9, $0x3;
	s24 =	sshrl.u32 s19, $0x3;
	s23 =	smax.u32 s23, $0x1  }
0x13: {  	s7 =	sadd.s32 s7, s0;
	s0 =	sadd.s32 s9, s0;
	s6 =	sadd.s32 $0x15200, s6  }
0x14: {  	s7 =	sadd.s32 $0x1800, s7;
	[dreg:$0x9] =	wrdreg s6;
	s6 =	sadd.s32 s16, s20  }
0x15: {  	s20 =	sadd.s32 s16, s17;
	s17 =	sadd.s32 s21, s24;
	s24 =	simm.s32 $0x2  }
0x16: {  	[dreg:$0x8] =	wrdreg s7;
	s7 =	sadd.s32 s16, s22;
	s22 =	sadd.s32 s16, s18  }
0x17: {  	s16 =	sadd.s32 s8, s4;
	s6 =	sshrl.u32 s6, $0x3;
	s26 =	sshrl.u32 s20, $0x3  }
0x18: {  	s18 =	sadd.s32 s21, s6;
	s25 =	sshrl.u32 s7, $0x3;
	s20 =	sadd.s32 s21, s26  }
0x19: {  	s28 =	sshrl.u32 s22, $0x3;
	s22 =	sadd.s32 $0x47C00, s0;
	s26 =	simm.s32 $0xC500  }
0x1a: {  	s19 =	sadd.s32 s21, s25;
	s21 =	sadd.s32 s21, s28;
	s25 =	simm.s32 $0x9D00  }
.LBB2_1:
0x1b: {  	s0 =	rddreg [dreg:$0x8]  }
0x1c: {  	[tilespmem:s5], [sflag:$0x2] =	stream.linear.gather [hbm4b:s0+s5], $0x4E80, $0x38;
	[tilespmem:$0x1B500] =	vst v63  }
0x1d: {  	_ =	swait.ge [sflag:s24], $0x4E80  }
0x1e: {  	[sflag:s24] =	ssyncset.done $0x0  }
0x1f: {  	s6 =	simm.s32 $0x4E80;
	s7 =	rddreg [dreg:$0x9];
	[sflag:s24] =	ssyncadd.s32 $0xFFFFB180  }
0x20: {  	[tilespmem:s6], [sflag:$0x2] =	stream.linear.gather [hbm4b:s7+s5], $0x4E80, $0x38;
	[tilespmem:$0x1B500] =	vst v63  }
0x21: {  	_ =	swait.ge [sflag:s24], $0x4E80  }
0x22: {  	[sflag:s24] =	ssyncset.done $0x0  }
0x23: {  	s8 =	rddreg [dreg:$0x5];
	[sflag:s24] =	ssyncadd.s32 $0xFFFFB180  }
0x24: {  	[tilespmem:s25], [sflag:$0x2] =	stream.linear.gather [hbm4b:s8+s5], $0x2000, $0x38;
	[tilespmem:$0x1B500] =	vst v63  }
0x25: {  	_ =	swait.ge [sflag:s24], $0x2000  }
0x26: {  	[sflag:s24] =	ssyncset.done $0x0  }
0x27: {  	[sflag:s24] =	ssyncadd.s32 $0xFFFFE000  }
0x28: {  	[spmem:s11] =	stream.linear.scatter [tilespmem:s25], [sflag:$0x2], $0x2000, $0x38;
	[tilespmem:$0x1B500] =	vst v63  }
0x29: {  	_ =	swait.ge [sflag:s24], $0x2000  }
0x2a: {  	[sflag:s24] =	ssyncset.done $0x0  }
0x2b: {  	[sflag:s24] =	ssyncadd.s32 $0xFFFFE000  }
0x2c: {  	[spmem:s12] =	stream.linear.scatter [tilespmem:s25], [sflag:$0x2], $0x2000, $0x38;
	[tilespmem:$0x1B500] =	vst v63  }
0x2d: {  	_ =	swait.ge [sflag:s24], $0x2000  }
0x2e: {  	[sflag:s24] =	ssyncset.done $0x0  }
0x2f: {  	[sflag:s24] =	ssyncadd.s32 $0xFFFFE000  }
0x30: {  	[spmem:s13] =	stream.linear.scatter [tilespmem:s25], [sflag:$0x2], $0x2000, $0x38;
	[tilespmem:$0x1B500] =	vst v63  }
0x31: {  	_ =	swait.ge [sflag:s24], $0x2000  }
0x32: {  	[sflag:s24] =	ssyncset.done $0x0  }
0x33: {  	[sflag:s24] =	ssyncadd.s32 $0xFFFFE000  }
0x34: {  	[spmem:s14] =	stream.linear.scatter [tilespmem:s25], [sflag:$0x2], $0x2000, $0x38;
	[tilespmem:$0x1B500] =	vst v63  }
0x35: {  	_ =	swait.ge [sflag:s24], $0x2000  }
0x36: {  	[sflag:s24] =	ssyncset.done $0x0  }
0x37: {  	[sflag:s24] =	ssyncadd.s32 $0xFFFFE000  }
0x38: {  	[spmem:s15] =	stream.linear.scatter [tilespmem:s25], [sflag:$0x2], $0x2000, $0x38;
	[tilespmem:$0x1B500] =	vst v63  }
0x39: {  	_ =	swait.ge [sflag:s24], $0x2000  }
0x3a: {  	[sflag:s24] =	ssyncset.done $0x0  }
0x3b: {  	s9 =	rddreg [dreg:$0x6];
	[sflag:s24] =	ssyncadd.s32 $0xFFFFE000  }
0x3c: {  	[tilespmem:s26], [sflag:$0x2] =	stream.linear.gather [hbm4b:s9+s5], $0x2800, $0x38;
	[tilespmem:$0x1B500] =	vst v63  }
0x3d: {  	_ =	swait.ge [sflag:s24], $0x2800  }
0x3e: {  	[sflag:s24] =	ssyncset.done $0x0  }
0x3f: {  	[sflag:s24] =	ssyncadd.s32 $0xFFFFD800  }
0x40: {  	[spmem:s16] =	stream.linear.scatter [tilespmem:s26], [sflag:$0x2], $0x2800, $0x38;
	[tilespmem:$0x1B500] =	vst v63  }
0x41: {  	_ =	swait.ge [sflag:s24], $0x2800  }
0x42: {  	[sflag:s24] =	ssyncset.done $0x0  }
0x43: {  	s7 =	simm.s32 $0xBD00;
	s10 =	rddreg [dreg:$0x7];
	[sflag:s24] =	ssyncadd.s32 $0xFFFFD800  }
0x44: {  	[tilespmem:s7], [sflag:$0x2] =	stream.linear.gather [hbm4b:s10+s5], $0x800, $0x38;
	[tilespmem:$0x1B500] =	vst v63  }
0x45: {  	_ =	swait.ge [sflag:s24], $0x800  }
0x46: {  	[sflag:s24] =	ssyncset.done $0x0  }
0x47: {  	[sflag:s24] =	ssyncadd.s32 $0xFFFFF800  }
0x48: {  	[bflag:$0x0] =	sbarrier.arrive $0xFFFF  }
0x49: {  	[tilespmem:s25], [sflag:$0x1] =	stream.indirect.gather [hbm4b:s1+s29], $0x40, s5, s29, $0xb8;
	[tilespmem:$0x1B500] =	vst v63  }
0x4a: {  	_ =	swait.ge [sflag:s30], $0x2000  }
0x4b: {  	p1 =	por $0x0, $0x0;
	[sflag:s30] =	ssyncset.done $0x0  }
0x4c: {  	s0 =	simm.s32 $0x1;
	s7 =	simm.s32 $0x1;
	[sflag:s30] =	ssyncadd.s32 $0xFFFFE000  }
0x4d: {  	[spmem:s3] =	stream.indirect.scatter.add.f32 [tilespmem:s25], [sflag:$0x3], $0x40, s6, s29, $0xb8;
	[tilespmem:$0x1B500] =	vst v63  }
0x4e: {  	s0 =	simm.s32 @!p0 $0x0;
	s7 =	simm.s32 @!p1 $0x0;
	_ =	swait.ge [sflag:s31], $0x2000  }
0x4f: {  	p1 =	seq.s32 s0, s7;
	[sflag:s31] =	ssyncset.done $0x0  }
0x50: {  	s7 =	simm.s32 @!p1 $0x80;
	s8 =	simm.s32 @!p1 $0xBD00;
	[sflag:s31] =	ssyncadd.s32 $0xFFFFE000  }
0x51: {  	[spmem:s4] =	stream.indirect.scatter.add.f32 @!p1 [tilespmem:s8], [sflag:$0x2], $0x10, s6, s7, $0xb8;
	[tilespmem:$0x1B500] =	vst v63  }
0x52: {  	s28 =	simm.s32 $0x1;
	s8 =	simm.s32 @!p1 $0x2  }
0x53: {  	s6 =	simm.s32 $0x4F00;
	s7 =	simm.s32 $0x0;
	_ =	swait.ge @!p1 [sflag:s8], $0x800  }
.LBB2_2:
0x54: {  	[sflag:s8] =	ssyncset.done @!p1 $0x0  }
0x55: {  	s7 =	sadd.s32 $0x80, s7;
	s9 =	smov.u32 s28;
	s28 =	sadd.s32 $0x1, s28  }
0x56: {  	p2 =	sne.s32 s28, $0x9D;
	[sflag:s8] =	ssyncadd.s32 @!p1 $0xFFFFF800  }
0x57: {  	[tilespmem:s25], [sflag:$0x1] =	stream.indirect.gather [hbm4b:s1+s29], $0x40, s7, s29, $0xb8;
	[tilespmem:$0x1B500] =	vst v63  }
0x58: {  	_ =	swait.ge [sflag:s30], $0x2000  }
0x59: {  	p1 =	sgt.u32 s9, $0x4D;
	s8 =	simm.s32 $0x1;
	[sflag:s30] =	ssyncset.done $0x0  }
0x5a: {  	s8 =	simm.s32 @!p1 $0x0;
	[sflag:s30] =	ssyncadd.s32 $0xFFFFE000  }
0x5b: {  	[spmem:s3] =	stream.indirect.scatter.add.f32 [tilespmem:s25], [sflag:$0x3], $0x40, s6, s29, $0xb8;
	[tilespmem:$0x1B500] =	vst v63  }
.Ltmp0:
0x5c: {  	p1 =	seq.s32 s0, s8;
	_ =	swait.ge [sflag:s31], $0x2000;
	(pc) =	sbr.rel @p2 .LBB2_2-.Ltmp0, $4  }
0x5d: {  	s9 =	simm.s32 @!p1 $0x80;
	s10 =	simm.s32 @!p1 $0xBD00;
	[sflag:s31] =	ssyncset.done $0x0  }
0x5e: {  	s8 =	simm.s32 @!p1 $0x2;
	[sflag:s31] =	ssyncadd.s32 $0xFFFFE000  }
0x5f: {  	[spmem:s4] =	stream.indirect.scatter.add.f32 @!p1 [tilespmem:s10], [sflag:$0x2], $0x10, s6, s9, $0xb8;
	[tilespmem:$0x1B500] =	vst v63  }
0x60: {  	s6 =	sadd.s32 $0x80, s6;
	_ =	swait.ge @!p1 [sflag:s8], $0x800  }
0x61: {  	[sflag:s8] =	ssyncset.done @!p1 $0x0  }
0x62: {  	[sflag:s8] =	ssyncadd.s32 @!p1 $0xFFFFF800  }
0x63: {  	[bflag:$0x0] =	sbarrier.arrive $0xFFFF  }
0x64: {  	[tilespmem:s25], [sflag:$0x2] =	stream.linear.gather [spmem:s11], $0x2000, $0x38;
	[tilespmem:$0x1B500] =	vst v63  }
0x65: {  	_ =	swait.ge [sflag:s24], $0x2000  }
0x66: {  	[sflag:s24] =	ssyncset.done $0x0  }
0x67: {  	[sflag:s24] =	ssyncadd.s32 $0xFFFFE000  }
0x68: {  	[hbm4b:s17+s5] =	stream.linear.scatter [tilespmem:s25], [sflag:$0x2], $0x2000, $0x38;
	[tilespmem:$0x1B500] =	vst v63  }
0x69: {  	_ =	swait.ge [sflag:s24], $0x2000  }
0x6a: {  	[sflag:s24] =	ssyncset.done $0x0  }
0x6b: {  	[sflag:s24] =	ssyncadd.s32 $0xFFFFE000  }
0x6c: {  	[tilespmem:s25], [sflag:$0x2] =	stream.linear.gather [spmem:s12], $0x2000, $0x38;
	[tilespmem:$0x1B500] =	vst v63  }
0x6d: {  	_ =	swait.ge [sflag:s24], $0x2000  }
0x6e: {  	[sflag:s24] =	ssyncset.done $0x0  }
0x6f: {  	[sflag:s24] =	ssyncadd.s32 $0xFFFFE000  }
0x70: {  	[hbm4b:s18+s5] =	stream.linear.scatter [tilespmem:s25], [sflag:$0x2], $0x2000, $0x38;
	[tilespmem:$0x1B500] =	vst v63  }
0x71: {  	_ =	swait.ge [sflag:s24], $0x2000  }
0x72: {  	[sflag:s24] =	ssyncset.done $0x0  }
0x73: {  	[sflag:s24] =	ssyncadd.s32 $0xFFFFE000  }
0x74: {  	[tilespmem:s25], [sflag:$0x2] =	stream.linear.gather [spmem:s13], $0x2000, $0x38;
	[tilespmem:$0x1B500] =	vst v63  }
0x75: {  	_ =	swait.ge [sflag:s24], $0x2000  }
0x76: {  	[sflag:s24] =	ssyncset.done $0x0  }
0x77: {  	[sflag:s24] =	ssyncadd.s32 $0xFFFFE000  }
0x78: {  	[hbm4b:s19+s5] =	stream.linear.scatter [tilespmem:s25], [sflag:$0x2], $0x2000, $0x38;
	[tilespmem:$0x1B500] =	vst v63  }
0x79: {  	_ =	swait.ge [sflag:s24], $0x2000  }
0x7a: {  	[sflag:s24] =	ssyncset.done $0x0  }
0x7b: {  	[sflag:s24] =	ssyncadd.s32 $0xFFFFE000  }
0x7c: {  	[tilespmem:s25], [sflag:$0x2] =	stream.linear.gather [spmem:s14], $0x2000, $0x38;
	[tilespmem:$0x1B500] =	vst v63  }
0x7d: {  	_ =	swait.ge [sflag:s24], $0x2000  }
0x7e: {  	[sflag:s24] =	ssyncset.done $0x0  }
0x7f: {  	[sflag:s24] =	ssyncadd.s32 $0xFFFFE000  }
0x80: {  	[hbm4b:s20+s5] =	stream.linear.scatter [tilespmem:s25], [sflag:$0x2], $0x2000, $0x38;
	[tilespmem:$0x1B500] =	vst v63  }
0x81: {  	_ =	swait.ge [sflag:s24], $0x2000  }
0x82: {  	[sflag:s24] =	ssyncset.done $0x0  }
0x83: {  	[sflag:s24] =	ssyncadd.s32 $0xFFFFE000  }
0x84: {  	[tilespmem:s25], [sflag:$0x2] =	stream.linear.gather [spmem:s15], $0x2000, $0x38;
	[tilespmem:$0x1B500] =	vst v63  }
0x85: {  	_ =	swait.ge [sflag:s24], $0x2000  }
0x86: {  	[sflag:s24] =	ssyncset.done $0x0  }
0x87: {  	[sflag:s24] =	ssyncadd.s32 $0xFFFFE000  }
0x88: {  	[hbm4b:s21+s5] =	stream.linear.scatter [tilespmem:s25], [sflag:$0x2], $0x2000, $0x38;
	[tilespmem:$0x1B500] =	vst v63  }
0x89: {  	_ =	swait.ge [sflag:s24], $0x2000  }
0x8a: {  	[sflag:s24] =	ssyncset.done $0x0  }
0x8b: {  	[sflag:s24] =	ssyncadd.s32 $0xFFFFE000  }
0x8c: {  	[tilespmem:s26], [sflag:$0x2] =	stream.linear.gather [spmem:s16], $0x2800, $0x38;
	[tilespmem:$0x1B500] =	vst v63  }
0x8d: {  	s2 =	sadd.s32 $0x1, s2;
	_ =	swait.ge [sflag:s24], $0x2800  }
0x8e: {  	p1 =	sne.s32 s2, s23;
	[sflag:s24] =	ssyncset.done $0x0  }
.Ltmp1:
0x8f: {  	[sflag:s24] =	ssyncadd.s32 $0xFFFFD800;
	(pc) =	sbr.rel @p1 .LBB2_1-.Ltmp1, $4  }
0x90: {  	[hbm4b:s22+s5] =	stream.linear.scatter [tilespmem:s26], [sflag:$0x2], $0x2800, $0x38;
	[tilespmem:$0x1B500] =	vst v63  }
0x91: {  	_ =	swait.ge [sflag:s24], $0x2800  }
0x92: {  	[sflag:s24] =	ssyncset.done $0x0  }
0x93: {  	[sflag:s24] =	ssyncadd.s32 $0xFFFFD800  }
0x94: {  	_ =	sfence.sel $0x180000  }
0x95: {  	[bflag:$0x0] =	sbarrier.arrive $0xFFFF  }
0x96: {  	_ =	strace $0x90000047  }
0x97: {  	s0 =	stileid.u32;
	[bflag:$0x2] =	sbarrier.arrive $0xFFFF  }
0x98: {  	p0 =	sne.s32 s0, $0x0;
	s0 =	rddreg [dreg:$0x4]  }
0x99: {  	s0 =	sadd.s32 @!p0 $0x100000, s0  }
0x9a: {  	[sflag:s0] =	ssyncadd.tile.s32 @!p0 $0x1;
	_ =	shalt  }
.Lfunc_end2:
_tile_overlayer_lowered:
.L_overlay_start_2:
0x9b: {  	(tag) =	ssettag $0x2  }
0x9c: {  	s0 =	rddreg [dreg:$0x0];
	s2 =	stileid.u32  }
0x9d: {  	s1 =	rddreg [dreg:$0x1];
	p0 =	sne.s32 s2, $0x0  }
0x9e: {  	s3 =	rddreg [dreg:$0x2];
	[bflag:$0x3] =	sbarrier.arrive $0xFFFF;
	s2 =	simm.s32 @!p0 $0x1C02  }
0x9f: {  	[timem:s3], [sflag:s2] =	dma.local @!p0 [hbm:s0], s1  }
0xa0: {  	s0 =	simm.s32 @!p0 $0x2  }
0xa1: {  	_ =	swait.ge @!p0 [sflag:s0], s1  }
0xa2: {  	s1 =	ssub.s32 @!p0 $0x0, s1;
	[sflag:s0] =	ssyncset.done @!p0 $0x0  }
0xa3: {  	[sflag:s0] =	ssyncadd.s32 @!p0 s1  }
0xa4: {  	[bflag:$0x3] =	sbarrier.arrive $0xFFFF  }
0xa5: {  	_ =	shalt  }

</sc_bundles>
